<compile_context>
chip_gen: v7x
topology: tpu7x:2x2x1
jax: 0.10.2.dev20260603
libtpu: 0.0.44.dev20260713+nightly
codegen_flags: <defaults>
</compile_context>

<pallas_src>
import functools

import jax
import jax.numpy as jnp
from jax import lax
from jax.experimental import pallas as pl
from jax.experimental.pallas import tpu as pltpu
from jax.experimental.pallas import tpu_sc as plsc

_N = 10000
_DEG = 16
_D = 128
_E = _N * _DEG

_NW = 32
_CHUNK = 128
_N_PAD = 10240
_ROWS = _DEG * _N_PAD
_NCHUNKS = _ROWS // _CHUNK
_CH0 = 40
_CH1 = 40
_CHMAX = max(_CH0, _CH1)

_BN = 400
_GRID = _N // _BN


_NB = 5


@functools.lru_cache(maxsize=None)
def _make_sc_gather():
    mesh = plsc.VectorSubcoreMesh(core_axis_name="c", subcore_axis_name="s")
    scratch = [pltpu.VMEM((_CHMAX, _CHUNK), jnp.int32)]
    scratch += [pltpu.VMEM((_CHUNK, _D), jnp.float32) for _ in range(_NB)]
    scratch += [pltpu.SemaphoreType.DMA for _ in range(2 * _NB)]

    @functools.partial(
        pl.kernel,
        mesh=mesh,
        out_type=jax.ShapeDtypeStruct((_ROWS, _D), jnp.float32),
        scratch_types=scratch,
    )
    def gather_k(feat_hbm, idx_hbm, out_hbm, idx_v, *rest):
        bufs = rest[:_NB]
        gsem = rest[_NB:2 * _NB]
        ssem = rest[2 * _NB:3 * _NB]
        c = lax.axis_index("c")
        s = lax.axis_index("s")
        n_c = jnp.where(c == 0, _CH0, _CH1)
        chunk0 = jnp.where(c == 0, s * _CH0, 16 * _CH0 + s * _CH1)
        row0 = chunk0 * _CHUNK

        pltpu.sync_copy(idx_hbm.at[pl.ds(chunk0, _CHMAX)], idx_v)

        def gather_start(j, b):
            pltpu.async_copy(feat_hbm.at[idx_v.at[j]], bufs[b], gsem[b])

        def gather_wait(j, b):
            pltpu.make_async_copy(feat_hbm.at[idx_v.at[j]], bufs[b],
                                  gsem[b]).wait()

        for b in range(_NB):
            gather_start(b, b)

        def steady(g, carry):
            for b in range(_NB):
                j = g * _NB + b
                gather_wait(j, b)
                gather_start(j + _NB, b)
            return carry

        n_steady = n_c // _NB - 1
        lax.fori_loop(0, n_steady, steady, 0, unroll=False)

        for b in range(_NB):
            j = n_steady * _NB + b
            gather_wait(j, b)
            pltpu.async_copy(
                bufs[b], out_hbm.at[pl.ds(row0 + 0 * _CHUNK, _CHUNK)],
                ssem[b]).wait()

    return gather_k


def _gru_body(xs_ref, feat_ref, wih_ref, whh_ref, bih_ref, bhh_ref,
              wself_ref, wneigh_ref, bself_ref, out_ref):
    wih = wih_ref[...]
    whh = whh_ref[...]
    bih = bih_ref[...]
    bhh = bhh_ref[...]
    x_all = xs_ref[...].reshape(_DEG * _BN, _D)
    gi_all = jnp.dot(x_all, wih, preferred_element_type=jnp.float32) + bih
    h = None
    for t in range(_DEG):
        gi = gi_all[t * _BN:(t + 1) * _BN]
        if h is None:
            gh = bhh
        else:
            gh = jnp.dot(h, whh, preferred_element_type=jnp.float32) + bhh
        r = jax.nn.sigmoid(gi[:, :_D] + gh[:, :_D])
        z = jax.nn.sigmoid(gi[:, _D:2 * _D] + gh[:, _D:2 * _D])
        n = jnp.tanh(gi[:, 2 * _D:] + r * gh[:, 2 * _D:])
        if h is None:
            h = (1.0 - z) * n
        else:
            h = (1.0 - z) * n + z * h
    out_ref[...] = (
        jnp.dot(feat_ref[...], wself_ref[...], preferred_element_type=jnp.float32)
        + bself_ref[...]
        + jnp.dot(h, wneigh_ref[...], preferred_element_type=jnp.float32)
    )


def _gru_call(xs3, feat, wih, whh, bih, bhh, wself, wneigh, bself):
    return pl.pallas_call(
        _gru_body,
        grid=(_GRID,),
        in_specs=[
            pl.BlockSpec((_DEG, _BN, _D), lambda i: (0, i, 0)),
            pl.BlockSpec((_BN, _D), lambda i: (i, 0)),
            pl.BlockSpec((_D, 3 * _D), lambda i: (0, 0)),
            pl.BlockSpec((_D, 3 * _D), lambda i: (0, 0)),
            pl.BlockSpec((1, 3 * _D), lambda i: (0, 0)),
            pl.BlockSpec((1, 3 * _D), lambda i: (0, 0)),
            pl.BlockSpec((_D, _D), lambda i: (0, 0)),
            pl.BlockSpec((_D, _D), lambda i: (0, 0)),
            pl.BlockSpec((1, _D), lambda i: (0, 0)),
        ],
        out_specs=pl.BlockSpec((_BN, _D), lambda i: (i, 0)),
        out_shape=jax.ShapeDtypeStruct((_N, _D), jnp.float32),
    )(xs3, feat, wih, whh, bih, bhh, wself, wneigh, bself)


def kernel(feat, edge_index, bn_gamma, bn_beta, bn_mean, bn_var,
           W_ih, W_hh, b_ih, b_hh, W_self, W_neigh):
    scale = bn_gamma * lax.rsqrt(bn_var + 1e-5)
    shift = bn_beta - bn_mean * scale
    wih = scale[:, None] * W_ih.T
    bih = (shift @ W_ih.T + b_ih)[None, :]
    whh = W_hh.T
    bhh = b_hh[None, :]
    wself = scale[:, None] * W_self.T
    bself = (shift @ W_self.T)[None, :]
    wneigh = W_neigh.T

    src = edge_index[0]
    idx = jnp.pad(src.reshape(_N, _DEG).T, ((0, 0), (0, _N_PAD - _N)))
    idx = idx.reshape(_NCHUNKS, _CHUNK)
    idx = jnp.pad(idx, ((0, _CHMAX), (0, 0)))

    xs = _make_sc_gather()(feat, idx)
    xs3 = xs.reshape(_DEG, _N_PAD, _D)
    return _gru_call(xs3, feat, wih, whh, bih, bhh, wself, wneigh, bself)

# --- scband reference (transcript-rebuilt; emitter-appended) ---
"""Pipeline reference for scband-eopa-16655883174581 (READ-ONLY COPY).

The authoritative reference and input builder live on the scoring server;
editing this copy changes nothing except your own understanding.
"""

import jax, jax.numpy as jnp
import numpy as np

N = 10000
DEG = 16
D = 128
E = N * DEG


def setup_inputs(seed: int = 0) -> dict:
    key = jax.random.key(seed)
    ks = jax.random.split(key, 12)
    feat = jax.random.normal(ks[0], (N, D), dtype=jnp.float32)
    # Fixed in-degree graph: each dst node receives exactly DEG ordered messages.
    src = jax.random.randint(ks[1], (E,), 0, N, dtype=jnp.int32)
    dst = jnp.repeat(jnp.arange(N, dtype=jnp.int32), DEG)
    edge_index = jnp.stack([src, dst], axis=0)
    s = np.float32(1.0 / np.sqrt(D))
    # BatchNorm1d params (eval mode running stats)
    bn_gamma = 1.0 + 0.1 * jax.random.normal(ks[2], (D,), dtype=jnp.float32)
    bn_beta = 0.1 * jax.random.normal(ks[3], (D,), dtype=jnp.float32)
    bn_mean = jnp.zeros((D,), dtype=jnp.float32)
    bn_var = jnp.ones((D,), dtype=jnp.float32)
    # GRU params (torch layout: gates ordered r, z, n)
    W_ih = s * jax.random.normal(ks[4], (3 * D, D), dtype=jnp.float32)
    W_hh = s * jax.random.normal(ks[5], (3 * D, D), dtype=jnp.float32)
    b_ih = s * jax.random.normal(ks[6], (3 * D,), dtype=jnp.float32)
    b_hh = s * jax.random.normal(ks[7], (3 * D,), dtype=jnp.float32)
    # Linear layers (no bias)
    W_self = s * jax.random.normal(ks[8], (D, D), dtype=jnp.float32)
    W_neigh = s * jax.random.normal(ks[9], (D, D), dtype=jnp.float32)
    return {
        'feat': feat, 'edge_index': edge_index,
        'bn_gamma': bn_gamma, 'bn_beta': bn_beta, 'bn_mean': bn_mean, 'bn_var': bn_var,
        'W_ih': W_ih, 'W_hh': W_hh, 'b_ih': b_ih, 'b_hh': b_hh,
        'W_self': W_self, 'W_neigh': W_neigh,
    }


def _gru_cell(h, xt, W_ih, W_hh, b_ih, b_hh):
    gi = xt @ W_ih.T + b_ih
    gh = h @ W_hh.T + b_hh
    i_r, i_z, i_n = jnp.split(gi, 3, axis=-1)
    h_r, h_z, h_n = jnp.split(gh, 3, axis=-1)
    r = jax.nn.sigmoid(i_r + h_r)
    z = jax.nn.sigmoid(i_z + h_z)
    n = jnp.tanh(i_n + r * h_n)
    return (1.0 - z) * n + z * h


def reference(feat, edge_index, bn_gamma, bn_beta, bn_mean, bn_var, W_ih, W_hh, b_ih, b_hh, W_self, W_neigh):
    # BatchNorm1d (eval-mode running stats), feat_drop=0.0 -> identity
    x = (feat - bn_mean) / jnp.sqrt(bn_var + 1e-5) * bn_gamma + bn_beta
    src = edge_index[0]
    # copy_u: gather source features along edges (SparseCore gather)
    msgs = jnp.take(x, src, axis=0)  # [E, D]
    # dst is sorted with fixed in-degree DEG -> mailbox [N, DEG, D]
    mailbox = msgs.reshape(N, DEG, D)
    # GRU over the ordered incoming messages of each node; hn is last hidden state
    xs = jnp.swapaxes(mailbox, 0, 1)  # [DEG, N, D]
    h0 = jnp.zeros((N, D), dtype=x.dtype)

    def step(h, xt):
        return _gru_cell(h, xt, W_ih, W_hh, b_ih, b_hh), None

    neigh, _ = jax.lax.scan(step, h0, xs)
    rst = x @ W_self.T + neigh @ W_neigh.T
    return rst

if __name__ == "__main__":
    import jax
    _d = setup_inputs()
    print(jax.jit(kernel)(*tuple(_d.values())))

</pallas_src>

<mosaic_0001>
#map = affine_map<(d0, d1) -> (0, 0)>
module attributes {stable_mosaic.version = 14 : i64} {
  func.func @gather_k(%arg0: i32, %arg1: i32, %arg2: memref<10000x128xf32, #tpu.memory_space<hbm>>, %arg3: memref<1320x128xi32, #tpu.memory_space<hbm>>, %arg4: memref<163840x128xf32, #tpu.memory_space<hbm>>, %arg5: memref<40x128xi32, #tpu.memory_space<vmem>>, %arg6: memref<128x128xf32, #tpu.memory_space<vmem>>, %arg7: memref<128x128xf32, #tpu.memory_space<vmem>>, %arg8: memref<128x128xf32, #tpu.memory_space<vmem>>, %arg9: memref<128x128xf32, #tpu.memory_space<vmem>>, %arg10: memref<128x128xf32, #tpu.memory_space<vmem>>, %arg11: memref<!tpu.dma_semaphore, #tpu.memory_space<semaphore_mem>>, %arg12: memref<!tpu.dma_semaphore, #tpu.memory_space<semaphore_mem>>, %arg13: memref<!tpu.dma_semaphore, #tpu.memory_space<semaphore_mem>>, %arg14: memref<!tpu.dma_semaphore, #tpu.memory_space<semaphore_mem>>, %arg15: memref<!tpu.dma_semaphore, #tpu.memory_space<semaphore_mem>>, %arg16: memref<!tpu.dma_semaphore, #tpu.memory_space<semaphore_mem>>, %arg17: memref<!tpu.dma_semaphore, #tpu.memory_space<semaphore_mem>>, %arg18: memref<!tpu.dma_semaphore, #tpu.memory_space<semaphore_mem>>, %arg19: memref<!tpu.dma_semaphore, #tpu.memory_space<semaphore_mem>>, %arg20: memref<!tpu.dma_semaphore, #tpu.memory_space<semaphore_mem>>) attributes {dimension_semantics = [#tpu.dimension_semantics<core_parallel>, #tpu.dimension_semantics<subcore_parallel>], iteration_bounds = array<i64: 2, 16>, scalar_prefetch = 0 : i64, scratch_operands = 16 : i64, tpu.core_type = #tpu.core_type<sc_vector_subcore>, window_params = [{transform_indices = #map}, {transform_indices = #map}, {transform_indices = #map}]} {
    %eq3A = arith.constant 0 : i32
    %eq3A_0 = arith.cmpi eq, %arg0, %eq3A : i32
    %jit3A = arith.constant 40 : i32
    %jit3A_1 = arith.constant 40 : i32
    %select_n3A = arith.select %eq3A_0, %jit3A, %jit3A_1 : i32
    %eq3A_2 = arith.constant 0 : i32
    %eq3A_3 = arith.cmpi eq, %arg0, %eq3A_2 : i32
    %mul3A = arith.constant 40 : i32
    %mul3A_4 = arith.muli %arg1, %mul3A : i32
    %mul3A_5 = arith.constant 40 : i32
    %mul3A_6 = arith.muli %arg1, %mul3A_5 : i32
    %add3A = arith.constant 640 : i32
    %add3A_7 = arith.addi %add3A, %mul3A_6 : i32
    %select_n3A_8 = arith.select %eq3A_3, %mul3A_4, %add3A_7 : i32
    %mul3A_9 = arith.constant 128 : i32
    %mul3A_10 = arith.muli %select_n3A_8, %mul3A_9 : i32
    "tpu.region"() ({
      %run_scoped3A = tpu.sem_alloc : memref<!tpu.dma_semaphore, #tpu.memory_space<semaphore_mem>>
      %dma_start3A_173 = arith.constant 0 : i32
      %dma_start3A_174 = tpu.memref_slice %arg3[%select_n3A_8, %dma_start3A_173] : memref<1320x128xi32, #tpu.memory_space<hbm>> -> memref<40x128xi32, #tpu.memory_space<hbm>>
      %dma_start3A_175 = arith.constant 0 : i32
      %dma_start3A_176 = tpu.memref_slice %arg3[%select_n3A_8, %dma_start3A_175] : memref<1320x128xi32, #tpu.memory_space<hbm>> -> memref<40x128xi32, #tpu.memory_space<hbm>>
      tpu.enqueue_dma source(%dma_start3A_176 : memref<40x128xi32, #tpu.memory_space<hbm>>) target(%arg5 : memref<40x128xi32, #tpu.memory_space<vmem>>) target_semaphore(%run_scoped3A : memref<!tpu.dma_semaphore, #tpu.memory_space<semaphore_mem>>)
      %dma_wait3A_177 = arith.constant 0 : i32
      %dma_wait3A_178 = tpu.memref_slice %arg3[%select_n3A_8, %dma_wait3A_177] : memref<1320x128xi32, #tpu.memory_space<hbm>> -> memref<40x128xi32, #tpu.memory_space<hbm>>
      %dma_wait3A_179 = arith.constant 0 : i32
      %dma_wait3A_180 = tpu.memref_slice %arg3[%select_n3A_8, %dma_wait3A_179] : memref<1320x128xi32, #tpu.memory_space<hbm>> -> memref<40x128xi32, #tpu.memory_space<hbm>>
      tpu.wait_dma2 semaphore(%run_scoped3A : memref<!tpu.dma_semaphore, #tpu.memory_space<semaphore_mem>>) src(%dma_wait3A_180 : memref<40x128xi32, #tpu.memory_space<hbm>>) dst(%arg5 : memref<40x128xi32, #tpu.memory_space<vmem>>)
      tpu.yield
    }) : () -> ()
    %dma_start3A = arith.constant 0 : i32
    %dma_start3A_11 = arith.constant 0 : i32
    %dma_start3A_12 = tpu.memref_slice %arg5[%dma_start3A, %dma_start3A_11] : memref<40x128xi32, #tpu.memory_space<vmem>> -> memref<1x128xi32, #tpu.memory_space<vmem>>
    %dma_start3A_13 = tpu.memref_squeeze %dma_start3A_12 : memref<1x128xi32, #tpu.memory_space<vmem>> -> memref<128xi32, #tpu.memory_space<vmem>>
    %dma_start3A_14 = arith.constant 0 : i32
    %dma_start3A_15 = arith.constant 0 : i32
    %dma_start3A_16 = tpu.memref_slice %arg2[%dma_start3A_14, %dma_start3A_15] : memref<10000x128xf32, #tpu.memory_space<hbm>> -> memref<10000x128xf32, #tpu.memory_space<hbm>>
    tpu.enqueue_indirect_dma source(%dma_start3A_16 : memref<10000x128xf32, #tpu.memory_space<hbm>>) target(%arg6 : memref<128x128xf32, #tpu.memory_space<vmem>>) offsets(%dma_start3A_13 : memref<128xi32, #tpu.memory_space<vmem>>) semaphore(%arg11 : memref<!tpu.dma_semaphore, #tpu.memory_space<semaphore_mem>>)
    %dma_start3A_17 = arith.constant 1 : i32
    %dma_start3A_18 = arith.constant 0 : i32
    %dma_start3A_19 = tpu.memref_slice %arg5[%dma_start3A_17, %dma_start3A_18] : memref<40x128xi32, #tpu.memory_space<vmem>> -> memref<1x128xi32, #tpu.memory_space<vmem>>
    %dma_start3A_20 = tpu.memref_squeeze %dma_start3A_19 : memref<1x128xi32, #tpu.memory_space<vmem>> -> memref<128xi32, #tpu.memory_space<vmem>>
    %dma_start3A_21 = arith.constant 0 : i32
    %dma_start3A_22 = arith.constant 0 : i32
    %dma_start3A_23 = tpu.memref_slice %arg2[%dma_start3A_21, %dma_start3A_22] : memref<10000x128xf32, #tpu.memory_space<hbm>> -> memref<10000x128xf32, #tpu.memory_space<hbm>>
    tpu.enqueue_indirect_dma source(%dma_start3A_23 : memref<10000x128xf32, #tpu.memory_space<hbm>>) target(%arg7 : memref<128x128xf32, #tpu.memory_space<vmem>>) offsets(%dma_start3A_20 : memref<128xi32, #tpu.memory_space<vmem>>) semaphore(%arg12 : memref<!tpu.dma_semaphore, #tpu.memory_space<semaphore_mem>>)
    %dma_start3A_24 = arith.constant 2 : i32
    %dma_start3A_25 = arith.constant 0 : i32
    %dma_start3A_26 = tpu.memref_slice %arg5[%dma_start3A_24, %dma_start3A_25] : memref<40x128xi32, #tpu.memory_space<vmem>> -> memref<1x128xi32, #tpu.memory_space<vmem>>
    %dma_start3A_27 = tpu.memref_squeeze %dma_start3A_26 : memref<1x128xi32, #tpu.memory_space<vmem>> -> memref<128xi32, #tpu.memory_space<vmem>>
    %dma_start3A_28 = arith.constant 0 : i32
    %dma_start3A_29 = arith.constant 0 : i32
    %dma_start3A_30 = tpu.memref_slice %arg2[%dma_start3A_28, %dma_start3A_29] : memref<10000x128xf32, #tpu.memory_space<hbm>> -> memref<10000x128xf32, #tpu.memory_space<hbm>>
    tpu.enqueue_indirect_dma source(%dma_start3A_30 : memref<10000x128xf32, #tpu.memory_space<hbm>>) target(%arg8 : memref<128x128xf32, #tpu.memory_space<vmem>>) offsets(%dma_start3A_27 : memref<128xi32, #tpu.memory_space<vmem>>) semaphore(%arg13 : memref<!tpu.dma_semaphore, #tpu.memory_space<semaphore_mem>>)
    %dma_start3A_31 = arith.constant 3 : i32
    %dma_start3A_32 = arith.constant 0 : i32
    %dma_start3A_33 = tpu.memref_slice %arg5[%dma_start3A_31, %dma_start3A_32] : memref<40x128xi32, #tpu.memory_space<vmem>> -> memref<1x128xi32, #tpu.memory_space<vmem>>
    %dma_start3A_34 = tpu.memref_squeeze %dma_start3A_33 : memref<1x128xi32, #tpu.memory_space<vmem>> -> memref<128xi32, #tpu.memory_space<vmem>>
    %dma_start3A_35 = arith.constant 0 : i32
    %dma_start3A_36 = arith.constant 0 : i32
    %dma_start3A_37 = tpu.memref_slice %arg2[%dma_start3A_35, %dma_start3A_36] : memref<10000x128xf32, #tpu.memory_space<hbm>> -> memref<10000x128xf32, #tpu.memory_space<hbm>>
    tpu.enqueue_indirect_dma source(%dma_start3A_37 : memref<10000x128xf32, #tpu.memory_space<hbm>>) target(%arg9 : memref<128x128xf32, #tpu.memory_space<vmem>>) offsets(%dma_start3A_34 : memref<128xi32, #tpu.memory_space<vmem>>) semaphore(%arg14 : memref<!tpu.dma_semaphore, #tpu.memory_space<semaphore_mem>>)
    %dma_start3A_38 = arith.constant 4 : i32
    %dma_start3A_39 = arith.constant 0 : i32
    %dma_start3A_40 = tpu.memref_slice %arg5[%dma_start3A_38, %dma_start3A_39] : memref<40x128xi32, #tpu.memory_space<vmem>> -> memref<1x128xi32, #tpu.memory_space<vmem>>
    %dma_start3A_41 = tpu.memref_squeeze %dma_start3A_40 : memref<1x128xi32, #tpu.memory_space<vmem>> -> memref<128xi32, #tpu.memory_space<vmem>>
    %dma_start3A_42 = arith.constant 0 : i32
    %dma_start3A_43 = arith.constant 0 : i32
    %dma_start3A_44 = tpu.memref_slice %arg2[%dma_start3A_42, %dma_start3A_43] : memref<10000x128xf32, #tpu.memory_space<hbm>> -> memref<10000x128xf32, #tpu.memory_space<hbm>>
    tpu.enqueue_indirect_dma source(%dma_start3A_44 : memref<10000x128xf32, #tpu.memory_space<hbm>>) target(%arg10 : memref<128x128xf32, #tpu.memory_space<vmem>>) offsets(%dma_start3A_41 : memref<128xi32, #tpu.memory_space<vmem>>) semaphore(%arg15 : memref<!tpu.dma_semaphore, #tpu.memory_space<semaphore_mem>>)
    %jit3A_45 = arith.constant 5 : i32
    %div3A = arith.divsi %select_n3A, %jit3A_45 : i32
    %sign3A = arith.constant 0 : i32
    %sign3A_46 = arith.cmpi sgt, %select_n3A, %sign3A : i32
    %sign3A_47 = arith.extui %sign3A_46 : i1 to i32
    %sign3A_48 = arith.constant 0 : i32
    %sign3A_49 = arith.cmpi slt, %select_n3A, %sign3A_48 : i32
    %sign3A_50 = arith.extui %sign3A_49 : i1 to i32
    %sign3A_51 = arith.subi %sign3A_47, %sign3A_50 : i32
    %sign3A_52 = arith.constant 0 : i32
    %sign3A_53 = arith.cmpi sgt, %jit3A_45, %sign3A_52 : i32
    %sign3A_54 = arith.extui %sign3A_53 : i1 to i32
    %sign3A_55 = arith.constant 0 : i32
    %sign3A_56 = arith.cmpi slt, %jit3A_45, %sign3A_55 : i32
    %sign3A_57 = arith.extui %sign3A_56 : i1 to i32
    %sign3A_58 = arith.subi %sign3A_54, %sign3A_57 : i32
    %ne3A = arith.cmpi ne, %sign3A_51, %sign3A_58 : i32
    %rem3A = arith.remsi %select_n3A, %jit3A_45 : i32
    %ne3A_59 = arith.constant 0 : i32
    %ne3A_60 = arith.cmpi ne, %rem3A, %ne3A_59 : i32
    %and3A = arith.andi %ne3A, %ne3A_60 : i1
    %sub3A = arith.constant 1 : i32
    %sub3A_61 = arith.subi %div3A, %sub3A : i32
    %select_n3A_62 = arith.select %and3A, %sub3A_61, %div3A : i32
    %sub3A_63 = arith.constant 1 : i32
    %sub3A_64 = arith.subi %select_n3A_62, %sub3A_63 : i32
    %while3A = arith.constant 0 : i32
    %while3A_65 = arith.constant 0 : i32
    %while3A_66 = arith.subi %sub3A_64, %while3A_65 : i32
    %while3A_67 = arith.addi %while3A_65, %while3A_66 : i32
    %while3A_68 = arith.constant 1 : i32
    %while3A_69 = arith.divsi %while3A_66, %while3A_68 : i32
    %while3A_70 = arith.muli %while3A_69, %while3A_68 : i32
    %while3A_71 = arith.addi %while3A_65, %while3A_70 : i32
    %while3A_72 = arith.constant 1 : i32
    scf.for %while3A_173 = %while3A_65 to %while3A_71 step %while3A_72  : i32 {
      %mul3A_174 = arith.constant 5 : i32
      %mul3A_175 = arith.muli %while3A_173, %mul3A_174 : i32
      %add3A_176 = arith.constant 0 : i32
      %add3A_177 = arith.addi %mul3A_175, %add3A_176 : i32
      %dma_wait3A_178 = arith.constant 0 : i32
      %dma_wait3A_179 = tpu.memref_slice %arg5[%add3A_177, %dma_wait3A_178] : memref<40x128xi32, #tpu.memory_space<vmem>> -> memref<1x128xi32, #tpu.memory_space<vmem>>
      %dma_wait3A_180 = tpu.memref_squeeze %dma_wait3A_179 : memref<1x128xi32, #tpu.memory_space<vmem>> -> memref<128xi32, #tpu.memory_space<vmem>>
      %dma_wait3A_181 = arith.constant 0 : i32
      %dma_wait3A_182 = arith.constant 0 : i32
      %dma_wait3A_183 = tpu.memref_slice %arg2[%dma_wait3A_181, %dma_wait3A_182] : memref<10000x128xf32, #tpu.memory_space<hbm>> -> memref<10000x128xf32, #tpu.memory_space<hbm>>
      tpu.wait_indirect_dma semaphore(%arg11 : memref<!tpu.dma_semaphore, #tpu.memory_space<semaphore_mem>>) src(%dma_wait3A_183 : memref<10000x128xf32, #tpu.memory_space<hbm>>) dst(%arg6 : memref<128x128xf32, #tpu.memory_space<vmem>>)
      %add3A_184 = arith.constant 5 : i32
      %add3A_185 = arith.addi %add3A_177, %add3A_184 : i32
      %dma_start3A_186 = arith.constant 0 : i32
      %dma_start3A_187 = tpu.memref_slice %arg5[%add3A_185, %dma_start3A_186] : memref<40x128xi32, #tpu.memory_space<vmem>> -> memref<1x128xi32, #tpu.memory_space<vmem>>
      %dma_start3A_188 = tpu.memref_squeeze %dma_start3A_187 : memref<1x128xi32, #tpu.memory_space<vmem>> -> memref<128xi32, #tpu.memory_space<vmem>>
      %dma_start3A_189 = arith.constant 0 : i32
      %dma_start3A_190 = arith.constant 0 : i32
      %dma_start3A_191 = tpu.memref_slice %arg2[%dma_start3A_189, %dma_start3A_190] : memref<10000x128xf32, #tpu.memory_space<hbm>> -> memref<10000x128xf32, #tpu.memory_space<hbm>>
      tpu.enqueue_indirect_dma source(%dma_start3A_191 : memref<10000x128xf32, #tpu.memory_space<hbm>>) target(%arg6 : memref<128x128xf32, #tpu.memory_space<vmem>>) offsets(%dma_start3A_188 : memref<128xi32, #tpu.memory_space<vmem>>) semaphore(%arg11 : memref<!tpu.dma_semaphore, #tpu.memory_space<semaphore_mem>>)
      %mul3A_192 = arith.constant 5 : i32
      %mul3A_193 = arith.muli %while3A_173, %mul3A_192 : i32
      %add3A_194 = arith.constant 1 : i32
      %add3A_195 = arith.addi %mul3A_193, %add3A_194 : i32
      %dma_wait3A_196 = arith.constant 0 : i32
      %dma_wait3A_197 = tpu.memref_slice %arg5[%add3A_195, %dma_wait3A_196] : memref<40x128xi32, #tpu.memory_space<vmem>> -> memref<1x128xi32, #tpu.memory_space<vmem>>
      %dma_wait3A_198 = tpu.memref_squeeze %dma_wait3A_197 : memref<1x128xi32, #tpu.memory_space<vmem>> -> memref<128xi32, #tpu.memory_space<vmem>>
      %dma_wait3A_199 = arith.constant 0 : i32
      %dma_wait3A_200 = arith.constant 0 : i32
      %dma_wait3A_201 = tpu.memref_slice %arg2[%dma_wait3A_199, %dma_wait3A_200] : memref<10000x128xf32, #tpu.memory_space<hbm>> -> memref<10000x128xf32, #tpu.memory_space<hbm>>
      tpu.wait_indirect_dma semaphore(%arg12 : memref<!tpu.dma_semaphore, #tpu.memory_space<semaphore_mem>>) src(%dma_wait3A_201 : memref<10000x128xf32, #tpu.memory_space<hbm>>) dst(%arg7 : memref<128x128xf32, #tpu.memory_space<vmem>>)
      %add3A_202 = arith.constant 5 : i32
      %add3A_203 = arith.addi %add3A_195, %add3A_202 : i32
      %dma_start3A_204 = arith.constant 0 : i32
      %dma_start3A_205 = tpu.memref_slice %arg5[%add3A_203, %dma_start3A_204] : memref<40x128xi32, #tpu.memory_space<vmem>> -> memref<1x128xi32, #tpu.memory_space<vmem>>
      %dma_start3A_206 = tpu.memref_squeeze %dma_start3A_205 : memref<1x128xi32, #tpu.memory_space<vmem>> -> memref<128xi32, #tpu.memory_space<vmem>>
      %dma_start3A_207 = arith.constant 0 : i32
      %dma_start3A_208 = arith.constant 0 : i32
      %dma_start3A_209 = tpu.memref_slice %arg2[%dma_start3A_207, %dma_start3A_208] : memref<10000x128xf32, #tpu.memory_space<hbm>> -> memref<10000x128xf32, #tpu.memory_space<hbm>>
      tpu.enqueue_indirect_dma source(%dma_start3A_209 : memref<10000x128xf32, #tpu.memory_space<hbm>>) target(%arg7 : memref<128x128xf32, #tpu.memory_space<vmem>>) offsets(%dma_start3A_206 : memref<128xi32, #tpu.memory_space<vmem>>) semaphore(%arg12 : memref<!tpu.dma_semaphore, #tpu.memory_space<semaphore_mem>>)
      %mul3A_210 = arith.constant 5 : i32
      %mul3A_211 = arith.muli %while3A_173, %mul3A_210 : i32
      %add3A_212 = arith.constant 2 : i32
      %add3A_213 = arith.addi %mul3A_211, %add3A_212 : i32
      %dma_wait3A_214 = arith.constant 0 : i32
      %dma_wait3A_215 = tpu.memref_slice %arg5[%add3A_213, %dma_wait3A_214] : memref<40x128xi32, #tpu.memory_space<vmem>> -> memref<1x128xi32, #tpu.memory_space<vmem>>
      %dma_wait3A_216 = tpu.memref_squeeze %dma_wait3A_215 : memref<1x128xi32, #tpu.memory_space<vmem>> -> memref<128xi32, #tpu.memory_space<vmem>>
      %dma_wait3A_217 = arith.constant 0 : i32
      %dma_wait3A_218 = arith.constant 0 : i32
      %dma_wait3A_219 = tpu.memref_slice %arg2[%dma_wait3A_217, %dma_wait3A_218] : memref<10000x128xf32, #tpu.memory_space<hbm>> -> memref<10000x128xf32, #tpu.memory_space<hbm>>
      tpu.wait_indirect_dma semaphore(%arg13 : memref<!tpu.dma_semaphore, #tpu.memory_space<semaphore_mem>>) src(%dma_wait3A_219 : memref<10000x128xf32, #tpu.memory_space<hbm>>) dst(%arg8 : memref<128x128xf32, #tpu.memory_space<vmem>>)
      %add3A_220 = arith.constant 5 : i32
      %add3A_221 = arith.addi %add3A_213, %add3A_220 : i32
      %dma_start3A_222 = arith.constant 0 : i32
      %dma_start3A_223 = tpu.memref_slice %arg5[%add3A_221, %dma_start3A_222] : memref<40x128xi32, #tpu.memory_space<vmem>> -> memref<1x128xi32, #tpu.memory_space<vmem>>
      %dma_start3A_224 = tpu.memref_squeeze %dma_start3A_223 : memref<1x128xi32, #tpu.memory_space<vmem>> -> memref<128xi32, #tpu.memory_space<vmem>>
      %dma_start3A_225 = arith.constant 0 : i32
      %dma_start3A_226 = arith.constant 0 : i32
      %dma_start3A_227 = tpu.memref_slice %arg2[%dma_start3A_225, %dma_start3A_226] : memref<10000x128xf32, #tpu.memory_space<hbm>> -> memref<10000x128xf32, #tpu.memory_space<hbm>>
      tpu.enqueue_indirect_dma source(%dma_start3A_227 : memref<10000x128xf32, #tpu.memory_space<hbm>>) target(%arg8 : memref<128x128xf32, #tpu.memory_space<vmem>>) offsets(%dma_start3A_224 : memref<128xi32, #tpu.memory_space<vmem>>) semaphore(%arg13 : memref<!tpu.dma_semaphore, #tpu.memory_space<semaphore_mem>>)
      %mul3A_228 = arith.constant 5 : i32
      %mul3A_229 = arith.muli %while3A_173, %mul3A_228 : i32
      %add3A_230 = arith.constant 3 : i32
      %add3A_231 = arith.addi %mul3A_229, %add3A_230 : i32
      %dma_wait3A_232 = arith.constant 0 : i32
      %dma_wait3A_233 = tpu.memref_slice %arg5[%add3A_231, %dma_wait3A_232] : memref<40x128xi32, #tpu.memory_space<vmem>> -> memref<1x128xi32, #tpu.memory_space<vmem>>
      %dma_wait3A_234 = tpu.memref_squeeze %dma_wait3A_233 : memref<1x128xi32, #tpu.memory_space<vmem>> -> memref<128xi32, #tpu.memory_space<vmem>>
      %dma_wait3A_235 = arith.constant 0 : i32
      %dma_wait3A_236 = arith.constant 0 : i32
      %dma_wait3A_237 = tpu.memref_slice %arg2[%dma_wait3A_235, %dma_wait3A_236] : memref<10000x128xf32, #tpu.memory_space<hbm>> -> memref<10000x128xf32, #tpu.memory_space<hbm>>
      tpu.wait_indirect_dma semaphore(%arg14 : memref<!tpu.dma_semaphore, #tpu.memory_space<semaphore_mem>>) src(%dma_wait3A_237 : memref<10000x128xf32, #tpu.memory_space<hbm>>) dst(%arg9 : memref<128x128xf32, #tpu.memory_space<vmem>>)
      %add3A_238 = arith.constant 5 : i32
      %add3A_239 = arith.addi %add3A_231, %add3A_238 : i32
      %dma_start3A_240 = arith.constant 0 : i32
      %dma_start3A_241 = tpu.memref_slice %arg5[%add3A_239, %dma_start3A_240] : memref<40x128xi32, #tpu.memory_space<vmem>> -> memref<1x128xi32, #tpu.memory_space<vmem>>
      %dma_start3A_242 = tpu.memref_squeeze %dma_start3A_241 : memref<1x128xi32, #tpu.memory_space<vmem>> -> memref<128xi32, #tpu.memory_space<vmem>>
      %dma_start3A_243 = arith.constant 0 : i32
      %dma_start3A_244 = arith.constant 0 : i32
      %dma_start3A_245 = tpu.memref_slice %arg2[%dma_start3A_243, %dma_start3A_244] : memref<10000x128xf32, #tpu.memory_space<hbm>> -> memref<10000x128xf32, #tpu.memory_space<hbm>>
      tpu.enqueue_indirect_dma source(%dma_start3A_245 : memref<10000x128xf32, #tpu.memory_space<hbm>>) target(%arg9 : memref<128x128xf32, #tpu.memory_space<vmem>>) offsets(%dma_start3A_242 : memref<128xi32, #tpu.memory_space<vmem>>) semaphore(%arg14 : memref<!tpu.dma_semaphore, #tpu.memory_space<semaphore_mem>>)
      %mul3A_246 = arith.constant 5 : i32
      %mul3A_247 = arith.muli %while3A_173, %mul3A_246 : i32
      %add3A_248 = arith.constant 4 : i32
      %add3A_249 = arith.addi %mul3A_247, %add3A_248 : i32
      %dma_wait3A_250 = arith.constant 0 : i32
      %dma_wait3A_251 = tpu.memref_slice %arg5[%add3A_249, %dma_wait3A_250] : memref<40x128xi32, #tpu.memory_space<vmem>> -> memref<1x128xi32, #tpu.memory_space<vmem>>
      %dma_wait3A_252 = tpu.memref_squeeze %dma_wait3A_251 : memref<1x128xi32, #tpu.memory_space<vmem>> -> memref<128xi32, #tpu.memory_space<vmem>>
      %dma_wait3A_253 = arith.constant 0 : i32
      %dma_wait3A_254 = arith.constant 0 : i32
      %dma_wait3A_255 = tpu.memref_slice %arg2[%dma_wait3A_253, %dma_wait3A_254] : memref<10000x128xf32, #tpu.memory_space<hbm>> -> memref<10000x128xf32, #tpu.memory_space<hbm>>
      tpu.wait_indirect_dma semaphore(%arg15 : memref<!tpu.dma_semaphore, #tpu.memory_space<semaphore_mem>>) src(%dma_wait3A_255 : memref<10000x128xf32, #tpu.memory_space<hbm>>) dst(%arg10 : memref<128x128xf32, #tpu.memory_space<vmem>>)
      %add3A_256 = arith.constant 5 : i32
      %add3A_257 = arith.addi %add3A_249, %add3A_256 : i32
      %dma_start3A_258 = arith.constant 0 : i32
      %dma_start3A_259 = tpu.memref_slice %arg5[%add3A_257, %dma_start3A_258] : memref<40x128xi32, #tpu.memory_space<vmem>> -> memref<1x128xi32, #tpu.memory_space<vmem>>
      %dma_start3A_260 = tpu.memref_squeeze %dma_start3A_259 : memref<1x128xi32, #tpu.memory_space<vmem>> -> memref<128xi32, #tpu.memory_space<vmem>>
      %dma_start3A_261 = arith.constant 0 : i32
      %dma_start3A_262 = arith.constant 0 : i32
      %dma_start3A_263 = tpu.memref_slice %arg2[%dma_start3A_261, %dma_start3A_262] : memref<10000x128xf32, #tpu.memory_space<hbm>> -> memref<10000x128xf32, #tpu.memory_space<hbm>>
      tpu.enqueue_indirect_dma source(%dma_start3A_263 : memref<10000x128xf32, #tpu.memory_space<hbm>>) target(%arg10 : memref<128x128xf32, #tpu.memory_space<vmem>>) offsets(%dma_start3A_260 : memref<128xi32, #tpu.memory_space<vmem>>) semaphore(%arg15 : memref<!tpu.dma_semaphore, #tpu.memory_space<semaphore_mem>>)
    }
    %while3A_73 = arith.constant 1 : i32
    scf.for %while3A_173 = %while3A_71 to %while3A_67 step %while3A_73  : i32 {
      %mul3A_174 = arith.constant 5 : i32
      %mul3A_175 = arith.muli %while3A_173, %mul3A_174 : i32
      %add3A_176 = arith.constant 0 : i32
      %add3A_177 = arith.addi %mul3A_175, %add3A_176 : i32
      %dma_wait3A_178 = arith.constant 0 : i32
      %dma_wait3A_179 = tpu.memref_slice %arg5[%add3A_177, %dma_wait3A_178] : memref<40x128xi32, #tpu.memory_space<vmem>> -> memref<1x128xi32, #tpu.memory_space<vmem>>
      %dma_wait3A_180 = tpu.memref_squeeze %dma_wait3A_179 : memref<1x128xi32, #tpu.memory_space<vmem>> -> memref<128xi32, #tpu.memory_space<vmem>>
      %dma_wait3A_181 = arith.constant 0 : i32
      %dma_wait3A_182 = arith.constant 0 : i32
      %dma_wait3A_183 = tpu.memref_slice %arg2[%dma_wait3A_181, %dma_wait3A_182] : memref<10000x128xf32, #tpu.memory_space<hbm>> -> memref<10000x128xf32, #tpu.memory_space<hbm>>
      tpu.wait_indirect_dma semaphore(%arg11 : memref<!tpu.dma_semaphore, #tpu.memory_space<semaphore_mem>>) src(%dma_wait3A_183 : memref<10000x128xf32, #tpu.memory_space<hbm>>) dst(%arg6 : memref<128x128xf32, #tpu.memory_space<vmem>>)
      %add3A_184 = arith.constant 5 : i32
      %add3A_185 = arith.addi %add3A_177, %add3A_184 : i32
      %dma_start3A_186 = arith.constant 0 : i32
      %dma_start3A_187 = tpu.memref_slice %arg5[%add3A_185, %dma_start3A_186] : memref<40x128xi32, #tpu.memory_space<vmem>> -> memref<1x128xi32, #tpu.memory_space<vmem>>
      %dma_start3A_188 = tpu.memref_squeeze %dma_start3A_187 : memref<1x128xi32, #tpu.memory_space<vmem>> -> memref<128xi32, #tpu.memory_space<vmem>>
      %dma_start3A_189 = arith.constant 0 : i32
      %dma_start3A_190 = arith.constant 0 : i32
      %dma_start3A_191 = tpu.memref_slice %arg2[%dma_start3A_189, %dma_start3A_190] : memref<10000x128xf32, #tpu.memory_space<hbm>> -> memref<10000x128xf32, #tpu.memory_space<hbm>>
      tpu.enqueue_indirect_dma source(%dma_start3A_191 : memref<10000x128xf32, #tpu.memory_space<hbm>>) target(%arg6 : memref<128x128xf32, #tpu.memory_space<vmem>>) offsets(%dma_start3A_188 : memref<128xi32, #tpu.memory_space<vmem>>) semaphore(%arg11 : memref<!tpu.dma_semaphore, #tpu.memory_space<semaphore_mem>>)
      %mul3A_192 = arith.constant 5 : i32
      %mul3A_193 = arith.muli %while3A_173, %mul3A_192 : i32
      %add3A_194 = arith.constant 1 : i32
      %add3A_195 = arith.addi %mul3A_193, %add3A_194 : i32
      %dma_wait3A_196 = arith.constant 0 : i32
      %dma_wait3A_197 = tpu.memref_slice %arg5[%add3A_195, %dma_wait3A_196] : memref<40x128xi32, #tpu.memory_space<vmem>> -> memref<1x128xi32, #tpu.memory_space<vmem>>
      %dma_wait3A_198 = tpu.memref_squeeze %dma_wait3A_197 : memref<1x128xi32, #tpu.memory_space<vmem>> -> memref<128xi32, #tpu.memory_space<vmem>>
      %dma_wait3A_199 = arith.constant 0 : i32
      %dma_wait3A_200 = arith.constant 0 : i32
      %dma_wait3A_201 = tpu.memref_slice %arg2[%dma_wait3A_199, %dma_wait3A_200] : memref<10000x128xf32, #tpu.memory_space<hbm>> -> memref<10000x128xf32, #tpu.memory_space<hbm>>
      tpu.wait_indirect_dma semaphore(%arg12 : memref<!tpu.dma_semaphore, #tpu.memory_space<semaphore_mem>>) src(%dma_wait3A_201 : memref<10000x128xf32, #tpu.memory_space<hbm>>) dst(%arg7 : memref<128x128xf32, #tpu.memory_space<vmem>>)
      %add3A_202 = arith.constant 5 : i32
      %add3A_203 = arith.addi %add3A_195, %add3A_202 : i32
      %dma_start3A_204 = arith.constant 0 : i32
      %dma_start3A_205 = tpu.memref_slice %arg5[%add3A_203, %dma_start3A_204] : memref<40x128xi32, #tpu.memory_space<vmem>> -> memref<1x128xi32, #tpu.memory_space<vmem>>
      %dma_start3A_206 = tpu.memref_squeeze %dma_start3A_205 : memref<1x128xi32, #tpu.memory_space<vmem>> -> memref<128xi32, #tpu.memory_space<vmem>>
      %dma_start3A_207 = arith.constant 0 : i32
      %dma_start3A_208 = arith.constant 0 : i32
      %dma_start3A_209 = tpu.memref_slice %arg2[%dma_start3A_207, %dma_start3A_208] : memref<10000x128xf32, #tpu.memory_space<hbm>> -> memref<10000x128xf32, #tpu.memory_space<hbm>>
      tpu.enqueue_indirect_dma source(%dma_start3A_209 : memref<10000x128xf32, #tpu.memory_space<hbm>>) target(%arg7 : memref<128x128xf32, #tpu.memory_space<vmem>>) offsets(%dma_start3A_206 : memref<128xi32, #tpu.memory_space<vmem>>) semaphore(%arg12 : memref<!tpu.dma_semaphore, #tpu.memory_space<semaphore_mem>>)
      %mul3A_210 = arith.constant 5 : i32
      %mul3A_211 = arith.muli %while3A_173, %mul3A_210 : i32
      %add3A_212 = arith.constant 2 : i32
      %add3A_213 = arith.addi %mul3A_211, %add3A_212 : i32
      %dma_wait3A_214 = arith.constant 0 : i32
      %dma_wait3A_215 = tpu.memref_slice %arg5[%add3A_213, %dma_wait3A_214] : memref<40x128xi32, #tpu.memory_space<vmem>> -> memref<1x128xi32, #tpu.memory_space<vmem>>
      %dma_wait3A_216 = tpu.memref_squeeze %dma_wait3A_215 : memref<1x128xi32, #tpu.memory_space<vmem>> -> memref<128xi32, #tpu.memory_space<vmem>>
      %dma_wait3A_217 = arith.constant 0 : i32
      %dma_wait3A_218 = arith.constant 0 : i32
      %dma_wait3A_219 = tpu.memref_slice %arg2[%dma_wait3A_217, %dma_wait3A_218] : memref<10000x128xf32, #tpu.memory_space<hbm>> -> memref<10000x128xf32, #tpu.memory_space<hbm>>
      tpu.wait_indirect_dma semaphore(%arg13 : memref<!tpu.dma_semaphore, #tpu.memory_space<semaphore_mem>>) src(%dma_wait3A_219 : memref<10000x128xf32, #tpu.memory_space<hbm>>) dst(%arg8 : memref<128x128xf32, #tpu.memory_space<vmem>>)
      %add3A_220 = arith.constant 5 : i32
      %add3A_221 = arith.addi %add3A_213, %add3A_220 : i32
      %dma_start3A_222 = arith.constant 0 : i32
      %dma_start3A_223 = tpu.memref_slice %arg5[%add3A_221, %dma_start3A_222] : memref<40x128xi32, #tpu.memory_space<vmem>> -> memref<1x128xi32, #tpu.memory_space<vmem>>
      %dma_start3A_224 = tpu.memref_squeeze %dma_start3A_223 : memref<1x128xi32, #tpu.memory_space<vmem>> -> memref<128xi32, #tpu.memory_space<vmem>>
      %dma_start3A_225 = arith.constant 0 : i32
      %dma_start3A_226 = arith.constant 0 : i32
      %dma_start3A_227 = tpu.memref_slice %arg2[%dma_start3A_225, %dma_start3A_226] : memref<10000x128xf32, #tpu.memory_space<hbm>> -> memref<10000x128xf32, #tpu.memory_space<hbm>>
      tpu.enqueue_indirect_dma source(%dma_start3A_227 : memref<10000x128xf32, #tpu.memory_space<hbm>>) target(%arg8 : memref<128x128xf32, #tpu.memory_space<vmem>>) offsets(%dma_start3A_224 : memref<128xi32, #tpu.memory_space<vmem>>) semaphore(%arg13 : memref<!tpu.dma_semaphore, #tpu.memory_space<semaphore_mem>>)
      %mul3A_228 = arith.constant 5 : i32
      %mul3A_229 = arith.muli %while3A_173, %mul3A_228 : i32
      %add3A_230 = arith.constant 3 : i32
      %add3A_231 = arith.addi %mul3A_229, %add3A_230 : i32
      %dma_wait3A_232 = arith.constant 0 : i32
      %dma_wait3A_233 = tpu.memref_slice %arg5[%add3A_231, %dma_wait3A_232] : memref<40x128xi32, #tpu.memory_space<vmem>> -> memref<1x128xi32, #tpu.memory_space<vmem>>
      %dma_wait3A_234 = tpu.memref_squeeze %dma_wait3A_233 : memref<1x128xi32, #tpu.memory_space<vmem>> -> memref<128xi32, #tpu.memory_space<vmem>>
      %dma_wait3A_235 = arith.constant 0 : i32
      %dma_wait3A_236 = arith.constant 0 : i32
      %dma_wait3A_237 = tpu.memref_slice %arg2[%dma_wait3A_235, %dma_wait3A_236] : memref<10000x128xf32, #tpu.memory_space<hbm>> -> memref<10000x128xf32, #tpu.memory_space<hbm>>
      tpu.wait_indirect_dma semaphore(%arg14 : memref<!tpu.dma_semaphore, #tpu.memory_space<semaphore_mem>>) src(%dma_wait3A_237 : memref<10000x128xf32, #tpu.memory_space<hbm>>) dst(%arg9 : memref<128x128xf32, #tpu.memory_space<vmem>>)
      %add3A_238 = arith.constant 5 : i32
      %add3A_239 = arith.addi %add3A_231, %add3A_238 : i32
      %dma_start3A_240 = arith.constant 0 : i32
      %dma_start3A_241 = tpu.memref_slice %arg5[%add3A_239, %dma_start3A_240] : memref<40x128xi32, #tpu.memory_space<vmem>> -> memref<1x128xi32, #tpu.memory_space<vmem>>
      %dma_start3A_242 = tpu.memref_squeeze %dma_start3A_241 : memref<1x128xi32, #tpu.memory_space<vmem>> -> memref<128xi32, #tpu.memory_space<vmem>>
      %dma_start3A_243 = arith.constant 0 : i32
      %dma_start3A_244 = arith.constant 0 : i32
      %dma_start3A_245 = tpu.memref_slice %arg2[%dma_start3A_243, %dma_start3A_244] : memref<10000x128xf32, #tpu.memory_space<hbm>> -> memref<10000x128xf32, #tpu.memory_space<hbm>>
      tpu.enqueue_indirect_dma source(%dma_start3A_245 : memref<10000x128xf32, #tpu.memory_space<hbm>>) target(%arg9 : memref<128x128xf32, #tpu.memory_space<vmem>>) offsets(%dma_start3A_242 : memref<128xi32, #tpu.memory_space<vmem>>) semaphore(%arg14 : memref<!tpu.dma_semaphore, #tpu.memory_space<semaphore_mem>>)
      %mul3A_246 = arith.constant 5 : i32
      %mul3A_247 = arith.muli %while3A_173, %mul3A_246 : i32
      %add3A_248 = arith.constant 4 : i32
      %add3A_249 = arith.addi %mul3A_247, %add3A_248 : i32
      %dma_wait3A_250 = arith.constant 0 : i32
      %dma_wait3A_251 = tpu.memref_slice %arg5[%add3A_249, %dma_wait3A_250] : memref<40x128xi32, #tpu.memory_space<vmem>> -> memref<1x128xi32, #tpu.memory_space<vmem>>
      %dma_wait3A_252 = tpu.memref_squeeze %dma_wait3A_251 : memref<1x128xi32, #tpu.memory_space<vmem>> -> memref<128xi32, #tpu.memory_space<vmem>>
      %dma_wait3A_253 = arith.constant 0 : i32
      %dma_wait3A_254 = arith.constant 0 : i32
      %dma_wait3A_255 = tpu.memref_slice %arg2[%dma_wait3A_253, %dma_wait3A_254] : memref<10000x128xf32, #tpu.memory_space<hbm>> -> memref<10000x128xf32, #tpu.memory_space<hbm>>
      tpu.wait_indirect_dma semaphore(%arg15 : memref<!tpu.dma_semaphore, #tpu.memory_space<semaphore_mem>>) src(%dma_wait3A_255 : memref<10000x128xf32, #tpu.memory_space<hbm>>) dst(%arg10 : memref<128x128xf32, #tpu.memory_space<vmem>>)
      %add3A_256 = arith.constant 5 : i32
      %add3A_257 = arith.addi %add3A_249, %add3A_256 : i32
      %dma_start3A_258 = arith.constant 0 : i32
      %dma_start3A_259 = tpu.memref_slice %arg5[%add3A_257, %dma_start3A_258] : memref<40x128xi32, #tpu.memory_space<vmem>> -> memref<1x128xi32, #tpu.memory_space<vmem>>
      %dma_start3A_260 = tpu.memref_squeeze %dma_start3A_259 : memref<1x128xi32, #tpu.memory_space<vmem>> -> memref<128xi32, #tpu.memory_space<vmem>>
      %dma_start3A_261 = arith.constant 0 : i32
      %dma_start3A_262 = arith.constant 0 : i32
      %dma_start3A_263 = tpu.memref_slice %arg2[%dma_start3A_261, %dma_start3A_262] : memref<10000x128xf32, #tpu.memory_space<hbm>> -> memref<10000x128xf32, #tpu.memory_space<hbm>>
      tpu.enqueue_indirect_dma source(%dma_start3A_263 : memref<10000x128xf32, #tpu.memory_space<hbm>>) target(%arg10 : memref<128x128xf32, #tpu.memory_space<vmem>>) offsets(%dma_start3A_260 : memref<128xi32, #tpu.memory_space<vmem>>) semaphore(%arg15 : memref<!tpu.dma_semaphore, #tpu.memory_space<semaphore_mem>>)
    }
    %mul3A_74 = arith.constant 5 : i32
    %mul3A_75 = arith.muli %sub3A_64, %mul3A_74 : i32
    %add3A_76 = arith.constant 0 : i32
    %add3A_77 = arith.addi %mul3A_75, %add3A_76 : i32
    %dma_wait3A = arith.constant 0 : i32
    %dma_wait3A_78 = tpu.memref_slice %arg5[%add3A_77, %dma_wait3A] : memref<40x128xi32, #tpu.memory_space<vmem>> -> memref<1x128xi32, #tpu.memory_space<vmem>>
    %dma_wait3A_79 = tpu.memref_squeeze %dma_wait3A_78 : memref<1x128xi32, #tpu.memory_space<vmem>> -> memref<128xi32, #tpu.memory_space<vmem>>
    %dma_wait3A_80 = arith.constant 0 : i32
    %dma_wait3A_81 = arith.constant 0 : i32
    %dma_wait3A_82 = tpu.memref_slice %arg2[%dma_wait3A_80, %dma_wait3A_81] : memref<10000x128xf32, #tpu.memory_space<hbm>> -> memref<10000x128xf32, #tpu.memory_space<hbm>>
    tpu.wait_indirect_dma semaphore(%arg11 : memref<!tpu.dma_semaphore, #tpu.memory_space<semaphore_mem>>) src(%dma_wait3A_82 : memref<10000x128xf32, #tpu.memory_space<hbm>>) dst(%arg6 : memref<128x128xf32, #tpu.memory_space<vmem>>)
    %add3A_83 = arith.constant 0 : i32
    %add3A_84 = arith.addi %mul3A_10, %add3A_83 : i32
    %dma_start3A_85 = arith.constant 0 : i32
    %dma_start3A_86 = tpu.memref_slice %arg4[%add3A_84, %dma_start3A_85] : memref<163840x128xf32, #tpu.memory_space<hbm>> -> memref<128x128xf32, #tpu.memory_space<hbm>>
    %dma_start3A_87 = arith.constant 0 : i32
    %dma_start3A_88 = tpu.memref_slice %arg4[%add3A_84, %dma_start3A_87] : memref<163840x128xf32, #tpu.memory_space<hbm>> -> memref<128x128xf32, #tpu.memory_space<hbm>>
    tpu.enqueue_dma source(%arg6 : memref<128x128xf32, #tpu.memory_space<vmem>>) target(%dma_start3A_88 : memref<128x128xf32, #tpu.memory_space<hbm>>) target_semaphore(%arg16 : memref<!tpu.dma_semaphore, #tpu.memory_space<semaphore_mem>>)
    %dma_wait3A_89 = arith.constant 0 : i32
    %dma_wait3A_90 = tpu.memref_slice %arg4[%add3A_84, %dma_wait3A_89] : memref<163840x128xf32, #tpu.memory_space<hbm>> -> memref<128x128xf32, #tpu.memory_space<hbm>>
    %dma_wait3A_91 = arith.constant 0 : i32
    %dma_wait3A_92 = tpu.memref_slice %arg4[%add3A_84, %dma_wait3A_91] : memref<163840x128xf32, #tpu.memory_space<hbm>> -> memref<128x128xf32, #tpu.memory_space<hbm>>
    tpu.wait_dma2 semaphore(%arg16 : memref<!tpu.dma_semaphore, #tpu.memory_space<semaphore_mem>>) src(%arg6 : memref<128x128xf32, #tpu.memory_space<vmem>>) dst(%dma_wait3A_92 : memref<128x128xf32, #tpu.memory_space<hbm>>)
    %mul3A_93 = arith.constant 5 : i32
    %mul3A_94 = arith.muli %sub3A_64, %mul3A_93 : i32
    %add3A_95 = arith.constant 1 : i32
    %add3A_96 = arith.addi %mul3A_94, %add3A_95 : i32
    %dma_wait3A_97 = arith.constant 0 : i32
    %dma_wait3A_98 = tpu.memref_slice %arg5[%add3A_96, %dma_wait3A_97] : memref<40x128xi32, #tpu.memory_space<vmem>> -> memref<1x128xi32, #tpu.memory_space<vmem>>
    %dma_wait3A_99 = tpu.memref_squeeze %dma_wait3A_98 : memref<1x128xi32, #tpu.memory_space<vmem>> -> memref<128xi32, #tpu.memory_space<vmem>>
    %dma_wait3A_100 = arith.constant 0 : i32
    %dma_wait3A_101 = arith.constant 0 : i32
    %dma_wait3A_102 = tpu.memref_slice %arg2[%dma_wait3A_100, %dma_wait3A_101] : memref<10000x128xf32, #tpu.memory_space<hbm>> -> memref<10000x128xf32, #tpu.memory_space<hbm>>
    tpu.wait_indirect_dma semaphore(%arg12 : memref<!tpu.dma_semaphore, #tpu.memory_space<semaphore_mem>>) src(%dma_wait3A_102 : memref<10000x128xf32, #tpu.memory_space<hbm>>) dst(%arg7 : memref<128x128xf32, #tpu.memory_space<vmem>>)
    %add3A_103 = arith.constant 0 : i32
    %add3A_104 = arith.addi %mul3A_10, %add3A_103 : i32
    %dma_start3A_105 = arith.constant 0 : i32
    %dma_start3A_106 = tpu.memref_slice %arg4[%add3A_104, %dma_start3A_105] : memref<163840x128xf32, #tpu.memory_space<hbm>> -> memref<128x128xf32, #tpu.memory_space<hbm>>
    %dma_start3A_107 = arith.constant 0 : i32
    %dma_start3A_108 = tpu.memref_slice %arg4[%add3A_104, %dma_start3A_107] : memref<163840x128xf32, #tpu.memory_space<hbm>> -> memref<128x128xf32, #tpu.memory_space<hbm>>
    tpu.enqueue_dma source(%arg7 : memref<128x128xf32, #tpu.memory_space<vmem>>) target(%dma_start3A_108 : memref<128x128xf32, #tpu.memory_space<hbm>>) target_semaphore(%arg17 : memref<!tpu.dma_semaphore, #tpu.memory_space<semaphore_mem>>)
    %dma_wait3A_109 = arith.constant 0 : i32
    %dma_wait3A_110 = tpu.memref_slice %arg4[%add3A_104, %dma_wait3A_109] : memref<163840x128xf32, #tpu.memory_space<hbm>> -> memref<128x128xf32, #tpu.memory_space<hbm>>
    %dma_wait3A_111 = arith.constant 0 : i32
    %dma_wait3A_112 = tpu.memref_slice %arg4[%add3A_104, %dma_wait3A_111] : memref<163840x128xf32, #tpu.memory_space<hbm>> -> memref<128x128xf32, #tpu.memory_space<hbm>>
    tpu.wait_dma2 semaphore(%arg17 : memref<!tpu.dma_semaphore, #tpu.memory_space<semaphore_mem>>) src(%arg7 : memref<128x128xf32, #tpu.memory_space<vmem>>) dst(%dma_wait3A_112 : memref<128x128xf32, #tpu.memory_space<hbm>>)
    %mul3A_113 = arith.constant 5 : i32
    %mul3A_114 = arith.muli %sub3A_64, %mul3A_113 : i32
    %add3A_115 = arith.constant 2 : i32
    %add3A_116 = arith.addi %mul3A_114, %add3A_115 : i32
    %dma_wait3A_117 = arith.constant 0 : i32
    %dma_wait3A_118 = tpu.memref_slice %arg5[%add3A_116, %dma_wait3A_117] : memref<40x128xi32, #tpu.memory_space<vmem>> -> memref<1x128xi32, #tpu.memory_space<vmem>>
    %dma_wait3A_119 = tpu.memref_squeeze %dma_wait3A_118 : memref<1x128xi32, #tpu.memory_space<vmem>> -> memref<128xi32, #tpu.memory_space<vmem>>
    %dma_wait3A_120 = arith.constant 0 : i32
    %dma_wait3A_121 = arith.constant 0 : i32
    %dma_wait3A_122 = tpu.memref_slice %arg2[%dma_wait3A_120, %dma_wait3A_121] : memref<10000x128xf32, #tpu.memory_space<hbm>> -> memref<10000x128xf32, #tpu.memory_space<hbm>>
    tpu.wait_indirect_dma semaphore(%arg13 : memref<!tpu.dma_semaphore, #tpu.memory_space<semaphore_mem>>) src(%dma_wait3A_122 : memref<10000x128xf32, #tpu.memory_space<hbm>>) dst(%arg8 : memref<128x128xf32, #tpu.memory_space<vmem>>)
    %add3A_123 = arith.constant 0 : i32
    %add3A_124 = arith.addi %mul3A_10, %add3A_123 : i32
    %dma_start3A_125 = arith.constant 0 : i32
    %dma_start3A_126 = tpu.memref_slice %arg4[%add3A_124, %dma_start3A_125] : memref<163840x128xf32, #tpu.memory_space<hbm>> -> memref<128x128xf32, #tpu.memory_space<hbm>>
    %dma_start3A_127 = arith.constant 0 : i32
    %dma_start3A_128 = tpu.memref_slice %arg4[%add3A_124, %dma_start3A_127] : memref<163840x128xf32, #tpu.memory_space<hbm>> -> memref<128x128xf32, #tpu.memory_space<hbm>>
    tpu.enqueue_dma source(%arg8 : memref<128x128xf32, #tpu.memory_space<vmem>>) target(%dma_start3A_128 : memref<128x128xf32, #tpu.memory_space<hbm>>) target_semaphore(%arg18 : memref<!tpu.dma_semaphore, #tpu.memory_space<semaphore_mem>>)
    %dma_wait3A_129 = arith.constant 0 : i32
    %dma_wait3A_130 = tpu.memref_slice %arg4[%add3A_124, %dma_wait3A_129] : memref<163840x128xf32, #tpu.memory_space<hbm>> -> memref<128x128xf32, #tpu.memory_space<hbm>>
    %dma_wait3A_131 = arith.constant 0 : i32
    %dma_wait3A_132 = tpu.memref_slice %arg4[%add3A_124, %dma_wait3A_131] : memref<163840x128xf32, #tpu.memory_space<hbm>> -> memref<128x128xf32, #tpu.memory_space<hbm>>
    tpu.wait_dma2 semaphore(%arg18 : memref<!tpu.dma_semaphore, #tpu.memory_space<semaphore_mem>>) src(%arg8 : memref<128x128xf32, #tpu.memory_space<vmem>>) dst(%dma_wait3A_132 : memref<128x128xf32, #tpu.memory_space<hbm>>)
    %mul3A_133 = arith.constant 5 : i32
    %mul3A_134 = arith.muli %sub3A_64, %mul3A_133 : i32
    %add3A_135 = arith.constant 3 : i32
    %add3A_136 = arith.addi %mul3A_134, %add3A_135 : i32
    %dma_wait3A_137 = arith.constant 0 : i32
    %dma_wait3A_138 = tpu.memref_slice %arg5[%add3A_136, %dma_wait3A_137] : memref<40x128xi32, #tpu.memory_space<vmem>> -> memref<1x128xi32, #tpu.memory_space<vmem>>
    %dma_wait3A_139 = tpu.memref_squeeze %dma_wait3A_138 : memref<1x128xi32, #tpu.memory_space<vmem>> -> memref<128xi32, #tpu.memory_space<vmem>>
    %dma_wait3A_140 = arith.constant 0 : i32
    %dma_wait3A_141 = arith.constant 0 : i32
    %dma_wait3A_142 = tpu.memref_slice %arg2[%dma_wait3A_140, %dma_wait3A_141] : memref<10000x128xf32, #tpu.memory_space<hbm>> -> memref<10000x128xf32, #tpu.memory_space<hbm>>
    tpu.wait_indirect_dma semaphore(%arg14 : memref<!tpu.dma_semaphore, #tpu.memory_space<semaphore_mem>>) src(%dma_wait3A_142 : memref<10000x128xf32, #tpu.memory_space<hbm>>) dst(%arg9 : memref<128x128xf32, #tpu.memory_space<vmem>>)
    %add3A_143 = arith.constant 0 : i32
    %add3A_144 = arith.addi %mul3A_10, %add3A_143 : i32
    %dma_start3A_145 = arith.constant 0 : i32
    %dma_start3A_146 = tpu.memref_slice %arg4[%add3A_144, %dma_start3A_145] : memref<163840x128xf32, #tpu.memory_space<hbm>> -> memref<128x128xf32, #tpu.memory_space<hbm>>
    %dma_start3A_147 = arith.constant 0 : i32
    %dma_start3A_148 = tpu.memref_slice %arg4[%add3A_144, %dma_start3A_147] : memref<163840x128xf32, #tpu.memory_space<hbm>> -> memref<128x128xf32, #tpu.memory_space<hbm>>
    tpu.enqueue_dma source(%arg9 : memref<128x128xf32, #tpu.memory_space<vmem>>) target(%dma_start3A_148 : memref<128x128xf32, #tpu.memory_space<hbm>>) target_semaphore(%arg19 : memref<!tpu.dma_semaphore, #tpu.memory_space<semaphore_mem>>)
    %dma_wait3A_149 = arith.constant 0 : i32
    %dma_wait3A_150 = tpu.memref_slice %arg4[%add3A_144, %dma_wait3A_149] : memref<163840x128xf32, #tpu.memory_space<hbm>> -> memref<128x128xf32, #tpu.memory_space<hbm>>
    %dma_wait3A_151 = arith.constant 0 : i32
    %dma_wait3A_152 = tpu.memref_slice %arg4[%add3A_144, %dma_wait3A_151] : memref<163840x128xf32, #tpu.memory_space<hbm>> -> memref<128x128xf32, #tpu.memory_space<hbm>>
    tpu.wait_dma2 semaphore(%arg19 : memref<!tpu.dma_semaphore, #tpu.memory_space<semaphore_mem>>) src(%arg9 : memref<128x128xf32, #tpu.memory_space<vmem>>) dst(%dma_wait3A_152 : memref<128x128xf32, #tpu.memory_space<hbm>>)
    %mul3A_153 = arith.constant 5 : i32
    %mul3A_154 = arith.muli %sub3A_64, %mul3A_153 : i32
    %add3A_155 = arith.constant 4 : i32
    %add3A_156 = arith.addi %mul3A_154, %add3A_155 : i32
    %dma_wait3A_157 = arith.constant 0 : i32
    %dma_wait3A_158 = tpu.memref_slice %arg5[%add3A_156, %dma_wait3A_157] : memref<40x128xi32, #tpu.memory_space<vmem>> -> memref<1x128xi32, #tpu.memory_space<vmem>>
    %dma_wait3A_159 = tpu.memref_squeeze %dma_wait3A_158 : memref<1x128xi32, #tpu.memory_space<vmem>> -> memref<128xi32, #tpu.memory_space<vmem>>
    %dma_wait3A_160 = arith.constant 0 : i32
    %dma_wait3A_161 = arith.constant 0 : i32
    %dma_wait3A_162 = tpu.memref_slice %arg2[%dma_wait3A_160, %dma_wait3A_161] : memref<10000x128xf32, #tpu.memory_space<hbm>> -> memref<10000x128xf32, #tpu.memory_space<hbm>>
    tpu.wait_indirect_dma semaphore(%arg15 : memref<!tpu.dma_semaphore, #tpu.memory_space<semaphore_mem>>) src(%dma_wait3A_162 : memref<10000x128xf32, #tpu.memory_space<hbm>>) dst(%arg10 : memref<128x128xf32, #tpu.memory_space<vmem>>)
    %add3A_163 = arith.constant 0 : i32
    %add3A_164 = arith.addi %mul3A_10, %add3A_163 : i32
    %dma_start3A_165 = arith.constant 0 : i32
    %dma_start3A_166 = tpu.memref_slice %arg4[%add3A_164, %dma_start3A_165] : memref<163840x128xf32, #tpu.memory_space<hbm>> -> memref<128x128xf32, #tpu.memory_space<hbm>>
    %dma_start3A_167 = arith.constant 0 : i32
    %dma_start3A_168 = tpu.memref_slice %arg4[%add3A_164, %dma_start3A_167] : memref<163840x128xf32, #tpu.memory_space<hbm>> -> memref<128x128xf32, #tpu.memory_space<hbm>>
    tpu.enqueue_dma source(%arg10 : memref<128x128xf32, #tpu.memory_space<vmem>>) target(%dma_start3A_168 : memref<128x128xf32, #tpu.memory_space<hbm>>) target_semaphore(%arg20 : memref<!tpu.dma_semaphore, #tpu.memory_space<semaphore_mem>>)
    %dma_wait3A_169 = arith.constant 0 : i32
    %dma_wait3A_170 = tpu.memref_slice %arg4[%add3A_164, %dma_wait3A_169] : memref<163840x128xf32, #tpu.memory_space<hbm>> -> memref<128x128xf32, #tpu.memory_space<hbm>>
    %dma_wait3A_171 = arith.constant 0 : i32
    %dma_wait3A_172 = tpu.memref_slice %arg4[%add3A_164, %dma_wait3A_171] : memref<163840x128xf32, #tpu.memory_space<hbm>> -> memref<128x128xf32, #tpu.memory_space<hbm>>
    tpu.wait_dma2 semaphore(%arg20 : memref<!tpu.dma_semaphore, #tpu.memory_space<semaphore_mem>>) src(%arg10 : memref<128x128xf32, #tpu.memory_space<vmem>>) dst(%dma_wait3A_172 : memref<128x128xf32, #tpu.memory_space<hbm>>)
    return
  }
}

module attributes {stable_mosaic.version = 14 : i64} {
  func.func @_gru_body(%arg0: i32, %arg1: memref<16x400x128xf32, #tpu.memory_space<vmem>>, %arg2: memref<400x128xf32, #tpu.memory_space<vmem>>, %arg3: memref<128x384xf32, #tpu.memory_space<vmem>>, %arg4: memref<128x384xf32, #tpu.memory_space<vmem>>, %arg5: memref<1x384xf32, #tpu.memory_space<vmem>>, %arg6: memref<1x384xf32, #tpu.memory_space<vmem>>, %arg7: memref<128x128xf32, #tpu.memory_space<vmem>>, %arg8: memref<128x128xf32, #tpu.memory_space<vmem>>, %arg9: memref<1x128xf32, #tpu.memory_space<vmem>>, %arg10: memref<400x128xf32, #tpu.memory_space<vmem>>) attributes {dimension_semantics = [#tpu.dimension_semantics<arbitrary>], iteration_bounds = array<i64: 25>, scalar_prefetch = 0 : i64, scratch_operands = 0 : i64, tpu.core_type = #tpu.core_type<tc>, window_params = [{transform_indices = @transform_0, window_bounds = array<i64: 16, 400, 128>}, {transform_indices = @transform_1, window_bounds = array<i64: 400, 128>}, {pipeline_mode = #tpu.pipeline_mode<synchronous>, transform_indices = @transform_2, window_bounds = array<i64: 128, 384>}, {pipeline_mode = #tpu.pipeline_mode<synchronous>, transform_indices = @transform_3, window_bounds = array<i64: 128, 384>}, {pipeline_mode = #tpu.pipeline_mode<synchronous>, transform_indices = @transform_4, window_bounds = array<i64: 1, 384>}, {pipeline_mode = #tpu.pipeline_mode<synchronous>, transform_indices = @transform_5, window_bounds = array<i64: 1, 384>}, {pipeline_mode = #tpu.pipeline_mode<synchronous>, transform_indices = @transform_6, window_bounds = array<i64: 128, 128>}, {pipeline_mode = #tpu.pipeline_mode<synchronous>, transform_indices = @transform_7, window_bounds = array<i64: 128, 128>}, {pipeline_mode = #tpu.pipeline_mode<synchronous>, transform_indices = @transform_8, window_bounds = array<i64: 1, 128>}, {transform_indices = @transform_9, window_bounds = array<i64: 400, 128>}]} {
    %get3A = arith.constant 0 : index
    %get3A_0 = arith.constant 0 : index
    %get3A_1 = vector.load %arg3[%get3A, %get3A_0] : memref<128x384xf32, #tpu.memory_space<vmem>>, vector<128x384xf32>
    %get3A_2 = arith.constant 0 : index
    %get3A_3 = arith.constant 0 : index
    %get3A_4 = vector.load %arg4[%get3A_2, %get3A_3] : memref<128x384xf32, #tpu.memory_space<vmem>>, vector<128x384xf32>
    %get3A_5 = arith.constant 0 : index
    %get3A_6 = arith.constant 0 : index
    %get3A_7 = vector.load %arg5[%get3A_5, %get3A_6] : memref<1x384xf32, #tpu.memory_space<vmem>>, vector<1x384xf32>
    %get3A_8 = arith.constant 0 : index
    %get3A_9 = arith.constant 0 : index
    %get3A_10 = vector.load %arg6[%get3A_8, %get3A_9] : memref<1x384xf32, #tpu.memory_space<vmem>>, vector<1x384xf32>
    %get3A_11 = arith.constant 0 : index
    %get3A_12 = arith.constant 0 : index
    %get3A_13 = arith.constant 0 : index
    %get3A_14 = vector.load %arg1[%get3A_11, %get3A_12, %get3A_13] : memref<16x400x128xf32, #tpu.memory_space<vmem>>, vector<16x400x128xf32>
    %reshape3A = vector.shape_cast %get3A_14 : vector<16x400x128xf32> to vector<6400x128xf32>
    %dot_general3A = arith.constant dense<0.000000e+00> : vector<6400x384xf32>
    %dot_general3A_15 = tpu.matmul %reshape3A, %get3A_1, %dot_general3A {dimension_numbers = #tpu.dot_dimension_numbers<[1], [0], [0], [1], [0, 0, 1, 1], [], []>, transpose_lhs_hint = false} : vector<6400x128xf32>, vector<128x384xf32>, vector<6400x384xf32> -> vector<6400x384xf32>
    %add3A = vector.broadcast %get3A_7 : vector<1x384xf32> to vector<6400x384xf32>
    %add3A_16 = arith.addf %dot_general3A_15, %add3A : vector<6400x384xf32>
    %slice3A = vector.extract_strided_slice %add3A_16 {offsets = [0, 0], sizes = [400, 384], strides = [1, 1]} : vector<6400x384xf32> to vector<400x384xf32>
    %slice3A_17 = vector.extract_strided_slice %slice3A {offsets = [0, 0], sizes = [400, 128], strides = [1, 1]} : vector<400x384xf32> to vector<400x128xf32>
    %slice3A_18 = vector.extract_strided_slice %get3A_10 {offsets = [0, 0], sizes = [1, 128], strides = [1, 1]} : vector<1x384xf32> to vector<1x128xf32>
    %add3A_19 = vector.broadcast %slice3A_18 : vector<1x128xf32> to vector<400x128xf32>
    %add3A_20 = arith.addf %slice3A_17, %add3A_19 : vector<400x128xf32>
    %logistic3A = arith.negf %add3A_20 : vector<400x128xf32>
    %logistic3A_21 = math.exp %logistic3A : vector<400x128xf32>
    %logistic3A_22 = arith.constant 1.000000e+00 : f32
    %logistic3A_23 = vector.broadcast %logistic3A_22 : f32 to vector<400x128xf32>
    %logistic3A_24 = arith.addf %logistic3A_23, %logistic3A_21 : vector<400x128xf32>
    %logistic3A_25 = arith.divf %logistic3A_23, %logistic3A_24 : vector<400x128xf32>
    %slice3A_26 = vector.extract_strided_slice %slice3A {offsets = [0, 128], sizes = [400, 128], strides = [1, 1]} : vector<400x384xf32> to vector<400x128xf32>
    %slice3A_27 = vector.extract_strided_slice %get3A_10 {offsets = [0, 128], sizes = [1, 128], strides = [1, 1]} : vector<1x384xf32> to vector<1x128xf32>
    %add3A_28 = vector.broadcast %slice3A_27 : vector<1x128xf32> to vector<400x128xf32>
    %add3A_29 = arith.addf %slice3A_26, %add3A_28 : vector<400x128xf32>
    %logistic3A_30 = arith.negf %add3A_29 : vector<400x128xf32>
    %logistic3A_31 = math.exp %logistic3A_30 : vector<400x128xf32>
    %logistic3A_32 = arith.constant 1.000000e+00 : f32
    %logistic3A_33 = vector.broadcast %logistic3A_32 : f32 to vector<400x128xf32>
    %logistic3A_34 = arith.addf %logistic3A_33, %logistic3A_31 : vector<400x128xf32>
    %logistic3A_35 = arith.divf %logistic3A_33, %logistic3A_34 : vector<400x128xf32>
    %slice3A_36 = vector.extract_strided_slice %slice3A {offsets = [0, 256], sizes = [400, 128], strides = [1, 1]} : vector<400x384xf32> to vector<400x128xf32>
    %slice3A_37 = vector.extract_strided_slice %get3A_10 {offsets = [0, 256], sizes = [1, 128], strides = [1, 1]} : vector<1x384xf32> to vector<1x128xf32>
    %mul3A = vector.broadcast %slice3A_37 : vector<1x128xf32> to vector<400x128xf32>
    %mul3A_38 = arith.mulf %logistic3A_25, %mul3A : vector<400x128xf32>
    %add3A_39 = arith.addf %slice3A_36, %mul3A_38 : vector<400x128xf32>
    %tanh3A = math.tanh %add3A_39 : vector<400x128xf32>
    %sub3A = arith.constant 1.000000e+00 : f32
    %sub3A_40 = vector.broadcast %sub3A : f32 to vector<400x128xf32>
    %sub3A_41 = arith.subf %sub3A_40, %logistic3A_35 : vector<400x128xf32>
    %mul3A_42 = arith.mulf %sub3A_41, %tanh3A : vector<400x128xf32>
    %slice3A_43 = vector.extract_strided_slice %add3A_16 {offsets = [400, 0], sizes = [400, 384], strides = [1, 1]} : vector<6400x384xf32> to vector<400x384xf32>
    %dot_general3A_44 = arith.constant dense<0.000000e+00> : vector<400x384xf32>
    %dot_general3A_45 = tpu.matmul %mul3A_42, %get3A_4, %dot_general3A_44 {dimension_numbers = #tpu.dot_dimension_numbers<[1], [0], [0], [1], [0, 0, 1, 1], [], []>, transpose_lhs_hint = false} : vector<400x128xf32>, vector<128x384xf32>, vector<400x384xf32> -> vector<400x384xf32>
    %add3A_46 = vector.broadcast %get3A_10 : vector<1x384xf32> to vector<400x384xf32>
    %add3A_47 = arith.addf %dot_general3A_45, %add3A_46 : vector<400x384xf32>
    %slice3A_48 = vector.extract_strided_slice %slice3A_43 {offsets = [0, 0], sizes = [400, 128], strides = [1, 1]} : vector<400x384xf32> to vector<400x128xf32>
    %slice3A_49 = vector.extract_strided_slice %add3A_47 {offsets = [0, 0], sizes = [400, 128], strides = [1, 1]} : vector<400x384xf32> to vector<400x128xf32>
    %add3A_50 = arith.addf %slice3A_48, %slice3A_49 : vector<400x128xf32>
    %logistic3A_51 = arith.negf %add3A_50 : vector<400x128xf32>
    %logistic3A_52 = math.exp %logistic3A_51 : vector<400x128xf32>
    %logistic3A_53 = arith.constant 1.000000e+00 : f32
    %logistic3A_54 = vector.broadcast %logistic3A_53 : f32 to vector<400x128xf32>
    %logistic3A_55 = arith.addf %logistic3A_54, %logistic3A_52 : vector<400x128xf32>
    %logistic3A_56 = arith.divf %logistic3A_54, %logistic3A_55 : vector<400x128xf32>
    %slice3A_57 = vector.extract_strided_slice %slice3A_43 {offsets = [0, 128], sizes = [400, 128], strides = [1, 1]} : vector<400x384xf32> to vector<400x128xf32>
    %slice3A_58 = vector.extract_strided_slice %add3A_47 {offsets = [0, 128], sizes = [400, 128], strides = [1, 1]} : vector<400x384xf32> to vector<400x128xf32>
    %add3A_59 = arith.addf %slice3A_57, %slice3A_58 : vector<400x128xf32>
    %logistic3A_60 = arith.negf %add3A_59 : vector<400x128xf32>
    %logistic3A_61 = math.exp %logistic3A_60 : vector<400x128xf32>
    %logistic3A_62 = arith.constant 1.000000e+00 : f32
    %logistic3A_63 = vector.broadcast %logistic3A_62 : f32 to vector<400x128xf32>
    %logistic3A_64 = arith.addf %logistic3A_63, %logistic3A_61 : vector<400x128xf32>
    %logistic3A_65 = arith.divf %logistic3A_63, %logistic3A_64 : vector<400x128xf32>
    %slice3A_66 = vector.extract_strided_slice %slice3A_43 {offsets = [0, 256], sizes = [400, 128], strides = [1, 1]} : vector<400x384xf32> to vector<400x128xf32>
    %slice3A_67 = vector.extract_strided_slice %add3A_47 {offsets = [0, 256], sizes = [400, 128], strides = [1, 1]} : vector<400x384xf32> to vector<400x128xf32>
    %mul3A_68 = arith.mulf %logistic3A_56, %slice3A_67 : vector<400x128xf32>
    %add3A_69 = arith.addf %slice3A_66, %mul3A_68 : vector<400x128xf32>
    %tanh3A_70 = math.tanh %add3A_69 : vector<400x128xf32>
    %sub3A_71 = arith.constant 1.000000e+00 : f32
    %sub3A_72 = vector.broadcast %sub3A_71 : f32 to vector<400x128xf32>
    %sub3A_73 = arith.subf %sub3A_72, %logistic3A_65 : vector<400x128xf32>
    %mul3A_74 = arith.mulf %sub3A_73, %tanh3A_70 : vector<400x128xf32>
    %mul3A_75 = arith.mulf %logistic3A_65, %mul3A_42 : vector<400x128xf32>
    %add3A_76 = arith.addf %mul3A_74, %mul3A_75 : vector<400x128xf32>
    %slice3A_77 = vector.extract_strided_slice %add3A_16 {offsets = [800, 0], sizes = [400, 384], strides = [1, 1]} : vector<6400x384xf32> to vector<400x384xf32>
    %dot_general3A_78 = arith.constant dense<0.000000e+00> : vector<400x384xf32>
    %dot_general3A_79 = tpu.matmul %add3A_76, %get3A_4, %dot_general3A_78 {dimension_numbers = #tpu.dot_dimension_numbers<[1], [0], [0], [1], [0, 0, 1, 1], [], []>, transpose_lhs_hint = false} : vector<400x128xf32>, vector<128x384xf32>, vector<400x384xf32> -> vector<400x384xf32>
    %add3A_80 = vector.broadcast %get3A_10 : vector<1x384xf32> to vector<400x384xf32>
    %add3A_81 = arith.addf %dot_general3A_79, %add3A_80 : vector<400x384xf32>
    %slice3A_82 = vector.extract_strided_slice %slice3A_77 {offsets = [0, 0], sizes = [400, 128], strides = [1, 1]} : vector<400x384xf32> to vector<400x128xf32>
    %slice3A_83 = vector.extract_strided_slice %add3A_81 {offsets = [0, 0], sizes = [400, 128], strides = [1, 1]} : vector<400x384xf32> to vector<400x128xf32>
    %add3A_84 = arith.addf %slice3A_82, %slice3A_83 : vector<400x128xf32>
    %logistic3A_85 = arith.negf %add3A_84 : vector<400x128xf32>
    %logistic3A_86 = math.exp %logistic3A_85 : vector<400x128xf32>
    %logistic3A_87 = arith.constant 1.000000e+00 : f32
    %logistic3A_88 = vector.broadcast %logistic3A_87 : f32 to vector<400x128xf32>
    %logistic3A_89 = arith.addf %logistic3A_88, %logistic3A_86 : vector<400x128xf32>
    %logistic3A_90 = arith.divf %logistic3A_88, %logistic3A_89 : vector<400x128xf32>
    %slice3A_91 = vector.extract_strided_slice %slice3A_77 {offsets = [0, 128], sizes = [400, 128], strides = [1, 1]} : vector<400x384xf32> to vector<400x128xf32>
    %slice3A_92 = vector.extract_strided_slice %add3A_81 {offsets = [0, 128], sizes = [400, 128], strides = [1, 1]} : vector<400x384xf32> to vector<400x128xf32>
    %add3A_93 = arith.addf %slice3A_91, %slice3A_92 : vector<400x128xf32>
    %logistic3A_94 = arith.negf %add3A_93 : vector<400x128xf32>
    %logistic3A_95 = math.exp %logistic3A_94 : vector<400x128xf32>
    %logistic3A_96 = arith.constant 1.000000e+00 : f32
    %logistic3A_97 = vector.broadcast %logistic3A_96 : f32 to vector<400x128xf32>
    %logistic3A_98 = arith.addf %logistic3A_97, %logistic3A_95 : vector<400x128xf32>
    %logistic3A_99 = arith.divf %logistic3A_97, %logistic3A_98 : vector<400x128xf32>
    %slice3A_100 = vector.extract_strided_slice %slice3A_77 {offsets = [0, 256], sizes = [400, 128], strides = [1, 1]} : vector<400x384xf32> to vector<400x128xf32>
    %slice3A_101 = vector.extract_strided_slice %add3A_81 {offsets = [0, 256], sizes = [400, 128], strides = [1, 1]} : vector<400x384xf32> to vector<400x128xf32>
    %mul3A_102 = arith.mulf %logistic3A_90, %slice3A_101 : vector<400x128xf32>
    %add3A_103 = arith.addf %slice3A_100, %mul3A_102 : vector<400x128xf32>
    %tanh3A_104 = math.tanh %add3A_103 : vector<400x128xf32>
    %sub3A_105 = arith.constant 1.000000e+00 : f32
    %sub3A_106 = vector.broadcast %sub3A_105 : f32 to vector<400x128xf32>
    %sub3A_107 = arith.subf %sub3A_106, %logistic3A_99 : vector<400x128xf32>
    %mul3A_108 = arith.mulf %sub3A_107, %tanh3A_104 : vector<400x128xf32>
    %mul3A_109 = arith.mulf %logistic3A_99, %add3A_76 : vector<400x128xf32>
    %add3A_110 = arith.addf %mul3A_108, %mul3A_109 : vector<400x128xf32>
    %slice3A_111 = vector.extract_strided_slice %add3A_16 {offsets = [1200, 0], sizes = [400, 384], strides = [1, 1]} : vector<6400x384xf32> to vector<400x384xf32>
    %dot_general3A_112 = arith.constant dense<0.000000e+00> : vector<400x384xf32>
    %dot_general3A_113 = tpu.matmul %add3A_110, %get3A_4, %dot_general3A_112 {dimension_numbers = #tpu.dot_dimension_numbers<[1], [0], [0], [1], [0, 0, 1, 1], [], []>, transpose_lhs_hint = false} : vector<400x128xf32>, vector<128x384xf32>, vector<400x384xf32> -> vector<400x384xf32>
    %add3A_114 = vector.broadcast %get3A_10 : vector<1x384xf32> to vector<400x384xf32>
    %add3A_115 = arith.addf %dot_general3A_113, %add3A_114 : vector<400x384xf32>
    %slice3A_116 = vector.extract_strided_slice %slice3A_111 {offsets = [0, 0], sizes = [400, 128], strides = [1, 1]} : vector<400x384xf32> to vector<400x128xf32>
    %slice3A_117 = vector.extract_strided_slice %add3A_115 {offsets = [0, 0], sizes = [400, 128], strides = [1, 1]} : vector<400x384xf32> to vector<400x128xf32>
    %add3A_118 = arith.addf %slice3A_116, %slice3A_117 : vector<400x128xf32>
    %logistic3A_119 = arith.negf %add3A_118 : vector<400x128xf32>
    %logistic3A_120 = math.exp %logistic3A_119 : vector<400x128xf32>
    %logistic3A_121 = arith.constant 1.000000e+00 : f32
    %logistic3A_122 = vector.broadcast %logistic3A_121 : f32 to vector<400x128xf32>
    %logistic3A_123 = arith.addf %logistic3A_122, %logistic3A_120 : vector<400x128xf32>
    %logistic3A_124 = arith.divf %logistic3A_122, %logistic3A_123 : vector<400x128xf32>
    %slice3A_125 = vector.extract_strided_slice %slice3A_111 {offsets = [0, 128], sizes = [400, 128], strides = [1, 1]} : vector<400x384xf32> to vector<400x128xf32>
    %slice3A_126 = vector.extract_strided_slice %add3A_115 {offsets = [0, 128], sizes = [400, 128], strides = [1, 1]} : vector<400x384xf32> to vector<400x128xf32>
    %add3A_127 = arith.addf %slice3A_125, %slice3A_126 : vector<400x128xf32>
    %logistic3A_128 = arith.negf %add3A_127 : vector<400x128xf32>
    %logistic3A_129 = math.exp %logistic3A_128 : vector<400x128xf32>
    %logistic3A_130 = arith.constant 1.000000e+00 : f32
    %logistic3A_131 = vector.broadcast %logistic3A_130 : f32 to vector<400x128xf32>
    %logistic3A_132 = arith.addf %logistic3A_131, %logistic3A_129 : vector<400x128xf32>
    %logistic3A_133 = arith.divf %logistic3A_131, %logistic3A_132 : vector<400x128xf32>
    %slice3A_134 = vector.extract_strided_slice %slice3A_111 {offsets = [0, 256], sizes = [400, 128], strides = [1, 1]} : vector<400x384xf32> to vector<400x128xf32>
    %slice3A_135 = vector.extract_strided_slice %add3A_115 {offsets = [0, 256], sizes = [400, 128], strides = [1, 1]} : vector<400x384xf32> to vector<400x128xf32>
    %mul3A_136 = arith.mulf %logistic3A_124, %slice3A_135 : vector<400x128xf32>
    %add3A_137 = arith.addf %slice3A_134, %mul3A_136 : vector<400x128xf32>
    %tanh3A_138 = math.tanh %add3A_137 : vector<400x128xf32>
    %sub3A_139 = arith.constant 1.000000e+00 : f32
    %sub3A_140 = vector.broadcast %sub3A_139 : f32 to vector<400x128xf32>
    %sub3A_141 = arith.subf %sub3A_140, %logistic3A_133 : vector<400x128xf32>
    %mul3A_142 = arith.mulf %sub3A_141, %tanh3A_138 : vector<400x128xf32>
    %mul3A_143 = arith.mulf %logistic3A_133, %add3A_110 : vector<400x128xf32>
    %add3A_144 = arith.addf %mul3A_142, %mul3A_143 : vector<400x128xf32>
    %slice3A_145 = vector.extract_strided_slice %add3A_16 {offsets = [1600, 0], sizes = [400, 384], strides = [1, 1]} : vector<6400x384xf32> to vector<400x384xf32>
    %dot_general3A_146 = arith.constant dense<0.000000e+00> : vector<400x384xf32>
    %dot_general3A_147 = tpu.matmul %add3A_144, %get3A_4, %dot_general3A_146 {dimension_numbers = #tpu.dot_dimension_numbers<[1], [0], [0], [1], [0, 0, 1, 1], [], []>, transpose_lhs_hint = false} : vector<400x128xf32>, vector<128x384xf32>, vector<400x384xf32> -> vector<400x384xf32>
    %add3A_148 = vector.broadcast %get3A_10 : vector<1x384xf32> to vector<400x384xf32>
    %add3A_149 = arith.addf %dot_general3A_147, %add3A_148 : vector<400x384xf32>
    %slice3A_150 = vector.extract_strided_slice %slice3A_145 {offsets = [0, 0], sizes = [400, 128], strides = [1, 1]} : vector<400x384xf32> to vector<400x128xf32>
    %slice3A_151 = vector.extract_strided_slice %add3A_149 {offsets = [0, 0], sizes = [400, 128], strides = [1, 1]} : vector<400x384xf32> to vector<400x128xf32>
    %add3A_152 = arith.addf %slice3A_150, %slice3A_151 : vector<400x128xf32>
    %logistic3A_153 = arith.negf %add3A_152 : vector<400x128xf32>
    %logistic3A_154 = math.exp %logistic3A_153 : vector<400x128xf32>
    %logistic3A_155 = arith.constant 1.000000e+00 : f32
    %logistic3A_156 = vector.broadcast %logistic3A_155 : f32 to vector<400x128xf32>
    %logistic3A_157 = arith.addf %logistic3A_156, %logistic3A_154 : vector<400x128xf32>
    %logistic3A_158 = arith.divf %logistic3A_156, %logistic3A_157 : vector<400x128xf32>
    %slice3A_159 = vector.extract_strided_slice %slice3A_145 {offsets = [0, 128], sizes = [400, 128], strides = [1, 1]} : vector<400x384xf32> to vector<400x128xf32>
    %slice3A_160 = vector.extract_strided_slice %add3A_149 {offsets = [0, 128], sizes = [400, 128], strides = [1, 1]} : vector<400x384xf32> to vector<400x128xf32>
    %add3A_161 = arith.addf %slice3A_159, %slice3A_160 : vector<400x128xf32>
    %logistic3A_162 = arith.negf %add3A_161 : vector<400x128xf32>
    %logistic3A_163 = math.exp %logistic3A_162 : vector<400x128xf32>
    %logistic3A_164 = arith.constant 1.000000e+00 : f32
    %logistic3A_165 = vector.broadcast %logistic3A_164 : f32 to vector<400x128xf32>
    %logistic3A_166 = arith.addf %logistic3A_165, %logistic3A_163 : vector<400x128xf32>
    %logistic3A_167 = arith.divf %logistic3A_165, %logistic3A_166 : vector<400x128xf32>
    %slice3A_168 = vector.extract_strided_slice %slice3A_145 {offsets = [0, 256], sizes = [400, 128], strides = [1, 1]} : vector<400x384xf32> to vector<400x128xf32>
    %slice3A_169 = vector.extract_strided_slice %add3A_149 {offsets = [0, 256], sizes = [400, 128], strides = [1, 1]} : vector<400x384xf32> to vector<400x128xf32>
    %mul3A_170 = arith.mulf %logistic3A_158, %slice3A_169 : vector<400x128xf32>
    %add3A_171 = arith.addf %slice3A_168, %mul3A_170 : vector<400x128xf32>
    %tanh3A_172 = math.tanh %add3A_171 : vector<400x128xf32>
    %sub3A_173 = arith.constant 1.000000e+00 : f32
    %sub3A_174 = vector.broadcast %sub3A_173 : f32 to vector<400x128xf32>
    %sub3A_175 = arith.subf %sub3A_174, %logistic3A_167 : vector<400x128xf32>
    %mul3A_176 = arith.mulf %sub3A_175, %tanh3A_172 : vector<400x128xf32>
    %mul3A_177 = arith.mulf %logistic3A_167, %add3A_144 : vector<400x128xf32>
    %add3A_178 = arith.addf %mul3A_176, %mul3A_177 : vector<400x128xf32>
    %slice3A_179 = vector.extract_strided_slice %add3A_16 {offsets = [2000, 0], sizes = [400, 384], strides = [1, 1]} : vector<6400x384xf32> to vector<400x384xf32>
    %dot_general3A_180 = arith.constant dense<0.000000e+00> : vector<400x384xf32>
    %dot_general3A_181 = tpu.matmul %add3A_178, %get3A_4, %dot_general3A_180 {dimension_numbers = #tpu.dot_dimension_numbers<[1], [0], [0], [1], [0, 0, 1, 1], [], []>, transpose_lhs_hint = false} : vector<400x128xf32>, vector<128x384xf32>, vector<400x384xf32> -> vector<400x384xf32>
    %add3A_182 = vector.broadcast %get3A_10 : vector<1x384xf32> to vector<400x384xf32>
    %add3A_183 = arith.addf %dot_general3A_181, %add3A_182 : vector<400x384xf32>
    %slice3A_184 = vector.extract_strided_slice %slice3A_179 {offsets = [0, 0], sizes = [400, 128], strides = [1, 1]} : vector<400x384xf32> to vector<400x128xf32>
    %slice3A_185 = vector.extract_strided_slice %add3A_183 {offsets = [0, 0], sizes = [400, 128], strides = [1, 1]} : vector<400x384xf32> to vector<400x128xf32>
    %add3A_186 = arith.addf %slice3A_184, %slice3A_185 : vector<400x128xf32>
    %logistic3A_187 = arith.negf %add3A_186 : vector<400x128xf32>
    %logistic3A_188 = math.exp %logistic3A_187 : vector<400x128xf32>
    %logistic3A_189 = arith.constant 1.000000e+00 : f32
    %logistic3A_190 = vector.broadcast %logistic3A_189 : f32 to vector<400x128xf32>
    %logistic3A_191 = arith.addf %logistic3A_190, %logistic3A_188 : vector<400x128xf32>
    %logistic3A_192 = arith.divf %logistic3A_190, %logistic3A_191 : vector<400x128xf32>
    %slice3A_193 = vector.extract_strided_slice %slice3A_179 {offsets = [0, 128], sizes = [400, 128], strides = [1, 1]} : vector<400x384xf32> to vector<400x128xf32>
    %slice3A_194 = vector.extract_strided_slice %add3A_183 {offsets = [0, 128], sizes = [400, 128], strides = [1, 1]} : vector<400x384xf32> to vector<400x128xf32>
    %add3A_195 = arith.addf %slice3A_193, %slice3A_194 : vector<400x128xf32>
    %logistic3A_196 = arith.negf %add3A_195 : vector<400x128xf32>
    %logistic3A_197 = math.exp %logistic3A_196 : vector<400x128xf32>
    %logistic3A_198 = arith.constant 1.000000e+00 : f32
    %logistic3A_199 = vector.broadcast %logistic3A_198 : f32 to vector<400x128xf32>
    %logistic3A_200 = arith.addf %logistic3A_199, %logistic3A_197 : vector<400x128xf32>
    %logistic3A_201 = arith.divf %logistic3A_199, %logistic3A_200 : vector<400x128xf32>
    %slice3A_202 = vector.extract_strided_slice %slice3A_179 {offsets = [0, 256], sizes = [400, 128], strides = [1, 1]} : vector<400x384xf32> to vector<400x128xf32>
    %slice3A_203 = vector.extract_strided_slice %add3A_183 {offsets = [0, 256], sizes = [400, 128], strides = [1, 1]} : vector<400x384xf32> to vector<400x128xf32>
    %mul3A_204 = arith.mulf %logistic3A_192, %slice3A_203 : vector<400x128xf32>
    %add3A_205 = arith.addf %slice3A_202, %mul3A_204 : vector<400x128xf32>
    %tanh3A_206 = math.tanh %add3A_205 : vector<400x128xf32>
    %sub3A_207 = arith.constant 1.000000e+00 : f32
    %sub3A_208 = vector.broadcast %sub3A_207 : f32 to vector<400x128xf32>
    %sub3A_209 = arith.subf %sub3A_208, %logistic3A_201 : vector<400x128xf32>
    %mul3A_210 = arith.mulf %sub3A_209, %tanh3A_206 : vector<400x128xf32>
    %mul3A_211 = arith.mulf %logistic3A_201, %add3A_178 : vector<400x128xf32>
    %add3A_212 = arith.addf %mul3A_210, %mul3A_211 : vector<400x128xf32>
    %slice3A_213 = vector.extract_strided_slice %add3A_16 {offsets = [2400, 0], sizes = [400, 384], strides = [1, 1]} : vector<6400x384xf32> to vector<400x384xf32>
    %dot_general3A_214 = arith.constant dense<0.000000e+00> : vector<400x384xf32>
    %dot_general3A_215 = tpu.matmul %add3A_212, %get3A_4, %dot_general3A_214 {dimension_numbers = #tpu.dot_dimension_numbers<[1], [0], [0], [1], [0, 0, 1, 1], [], []>, transpose_lhs_hint = false} : vector<400x128xf32>, vector<128x384xf32>, vector<400x384xf32> -> vector<400x384xf32>
    %add3A_216 = vector.broadcast %get3A_10 : vector<1x384xf32> to vector<400x384xf32>
    %add3A_217 = arith.addf %dot_general3A_215, %add3A_216 : vector<400x384xf32>
    %slice3A_218 = vector.extract_strided_slice %slice3A_213 {offsets = [0, 0], sizes = [400, 128], strides = [1, 1]} : vector<400x384xf32> to vector<400x128xf32>
    %slice3A_219 = vector.extract_strided_slice %add3A_217 {offsets = [0, 0], sizes = [400, 128], strides = [1, 1]} : vector<400x384xf32> to vector<400x128xf32>
    %add3A_220 = arith.addf %slice3A_218, %slice3A_219 : vector<400x128xf32>
    %logistic3A_221 = arith.negf %add3A_220 : vector<400x128xf32>
    %logistic3A_222 = math.exp %logistic3A_221 : vector<400x128xf32>
    %logistic3A_223 = arith.constant 1.000000e+00 : f32
    %logistic3A_224 = vector.broadcast %logistic3A_223 : f32 to vector<400x128xf32>
    %logistic3A_225 = arith.addf %logistic3A_224, %logistic3A_222 : vector<400x128xf32>
    %logistic3A_226 = arith.divf %logistic3A_224, %logistic3A_225 : vector<400x128xf32>
    %slice3A_227 = vector.extract_strided_slice %slice3A_213 {offsets = [0, 128], sizes = [400, 128], strides = [1, 1]} : vector<400x384xf32> to vector<400x128xf32>
    %slice3A_228 = vector.extract_strided_slice %add3A_217 {offsets = [0, 128], sizes = [400, 128], strides = [1, 1]} : vector<400x384xf32> to vector<400x128xf32>
    %add3A_229 = arith.addf %slice3A_227, %slice3A_228 : vector<400x128xf32>
    %logistic3A_230 = arith.negf %add3A_229 : vector<400x128xf32>
    %logistic3A_231 = math.exp %logistic3A_230 : vector<400x128xf32>
    %logistic3A_232 = arith.constant 1.000000e+00 : f32
    %logistic3A_233 = vector.broadcast %logistic3A_232 : f32 to vector<400x128xf32>
    %logistic3A_234 = arith.addf %logistic3A_233, %logistic3A_231 : vector<400x128xf32>
    %logistic3A_235 = arith.divf %logistic3A_233, %logistic3A_234 : vector<400x128xf32>
    %slice3A_236 = vector.extract_strided_slice %slice3A_213 {offsets = [0, 256], sizes = [400, 128], strides = [1, 1]} : vector<400x384xf32> to vector<400x128xf32>
    %slice3A_237 = vector.extract_strided_slice %add3A_217 {offsets = [0, 256], sizes = [400, 128], strides = [1, 1]} : vector<400x384xf32> to vector<400x128xf32>
    %mul3A_238 = arith.mulf %logistic3A_226, %slice3A_237 : vector<400x128xf32>
    %add3A_239 = arith.addf %slice3A_236, %mul3A_238 : vector<400x128xf32>
    %tanh3A_240 = math.tanh %add3A_239 : vector<400x128xf32>
    %sub3A_241 = arith.constant 1.000000e+00 : f32
    %sub3A_242 = vector.broadcast %sub3A_241 : f32 to vector<400x128xf32>
    %sub3A_243 = arith.subf %sub3A_242, %logistic3A_235 : vector<400x128xf32>
    %mul3A_244 = arith.mulf %sub3A_243, %tanh3A_240 : vector<400x128xf32>
    %mul3A_245 = arith.mulf %logistic3A_235, %add3A_212 : vector<400x128xf32>
    %add3A_246 = arith.addf %mul3A_244, %mul3A_245 : vector<400x128xf32>
    %slice3A_247 = vector.extract_strided_slice %add3A_16 {offsets = [2800, 0], sizes = [400, 384], strides = [1, 1]} : vector<6400x384xf32> to vector<400x384xf32>
    %dot_general3A_248 = arith.constant dense<0.000000e+00> : vector<400x384xf32>
    %dot_general3A_249 = tpu.matmul %add3A_246, %get3A_4, %dot_general3A_248 {dimension_numbers = #tpu.dot_dimension_numbers<[1], [0], [0], [1], [0, 0, 1, 1], [], []>, transpose_lhs_hint = false} : vector<400x128xf32>, vector<128x384xf32>, vector<400x384xf32> -> vector<400x384xf32>
    %add3A_250 = vector.broadcast %get3A_10 : vector<1x384xf32> to vector<400x384xf32>
    %add3A_251 = arith.addf %dot_general3A_249, %add3A_250 : vector<400x384xf32>
    %slice3A_252 = vector.extract_strided_slice %slice3A_247 {offsets = [0, 0], sizes = [400, 128], strides = [1, 1]} : vector<400x384xf32> to vector<400x128xf32>
    %slice3A_253 = vector.extract_strided_slice %add3A_251 {offsets = [0, 0], sizes = [400, 128], strides = [1, 1]} : vector<400x384xf32> to vector<400x128xf32>
    %add3A_254 = arith.addf %slice3A_252, %slice3A_253 : vector<400x128xf32>
    %logistic3A_255 = arith.negf %add3A_254 : vector<400x128xf32>
    %logistic3A_256 = math.exp %logistic3A_255 : vector<400x128xf32>
    %logistic3A_257 = arith.constant 1.000000e+00 : f32
    %logistic3A_258 = vector.broadcast %logistic3A_257 : f32 to vector<400x128xf32>
    %logistic3A_259 = arith.addf %logistic3A_258, %logistic3A_256 : vector<400x128xf32>
    %logistic3A_260 = arith.divf %logistic3A_258, %logistic3A_259 : vector<400x128xf32>
    %slice3A_261 = vector.extract_strided_slice %slice3A_247 {offsets = [0, 128], sizes = [400, 128], strides = [1, 1]} : vector<400x384xf32> to vector<400x128xf32>
    %slice3A_262 = vector.extract_strided_slice %add3A_251 {offsets = [0, 128], sizes = [400, 128], strides = [1, 1]} : vector<400x384xf32> to vector<400x128xf32>
    %add3A_263 = arith.addf %slice3A_261, %slice3A_262 : vector<400x128xf32>
    %logistic3A_264 = arith.negf %add3A_263 : vector<400x128xf32>
    %logistic3A_265 = math.exp %logistic3A_264 : vector<400x128xf32>
    %logistic3A_266 = arith.constant 1.000000e+00 : f32
    %logistic3A_267 = vector.broadcast %logistic3A_266 : f32 to vector<400x128xf32>
    %logistic3A_268 = arith.addf %logistic3A_267, %logistic3A_265 : vector<400x128xf32>
    %logistic3A_269 = arith.divf %logistic3A_267, %logistic3A_268 : vector<400x128xf32>
    %slice3A_270 = vector.extract_strided_slice %slice3A_247 {offsets = [0, 256], sizes = [400, 128], strides = [1, 1]} : vector<400x384xf32> to vector<400x128xf32>
    %slice3A_271 = vector.extract_strided_slice %add3A_251 {offsets = [0, 256], sizes = [400, 128], strides = [1, 1]} : vector<400x384xf32> to vector<400x128xf32>
    %mul3A_272 = arith.mulf %logistic3A_260, %slice3A_271 : vector<400x128xf32>
    %add3A_273 = arith.addf %slice3A_270, %mul3A_272 : vector<400x128xf32>
    %tanh3A_274 = math.tanh %add3A_273 : vector<400x128xf32>
    %sub3A_275 = arith.constant 1.000000e+00 : f32
    %sub3A_276 = vector.broadcast %sub3A_275 : f32 to vector<400x128xf32>
    %sub3A_277 = arith.subf %sub3A_276, %logistic3A_269 : vector<400x128xf32>
    %mul3A_278 = arith.mulf %sub3A_277, %tanh3A_274 : vector<400x128xf32>
    %mul3A_279 = arith.mulf %logistic3A_269, %add3A_246 : vector<400x128xf32>
    %add3A_280 = arith.addf %mul3A_278, %mul3A_279 : vector<400x128xf32>
    %slice3A_281 = vector.extract_strided_slice %add3A_16 {offsets = [3200, 0], sizes = [400, 384], strides = [1, 1]} : vector<6400x384xf32> to vector<400x384xf32>
    %dot_general3A_282 = arith.constant dense<0.000000e+00> : vector<400x384xf32>
    %dot_general3A_283 = tpu.matmul %add3A_280, %get3A_4, %dot_general3A_282 {dimension_numbers = #tpu.dot_dimension_numbers<[1], [0], [0], [1], [0, 0, 1, 1], [], []>, transpose_lhs_hint = false} : vector<400x128xf32>, vector<128x384xf32>, vector<400x384xf32> -> vector<400x384xf32>
    %add3A_284 = vector.broadcast %get3A_10 : vector<1x384xf32> to vector<400x384xf32>
    %add3A_285 = arith.addf %dot_general3A_283, %add3A_284 : vector<400x384xf32>
    %slice3A_286 = vector.extract_strided_slice %slice3A_281 {offsets = [0, 0], sizes = [400, 128], strides = [1, 1]} : vector<400x384xf32> to vector<400x128xf32>
    %slice3A_287 = vector.extract_strided_slice %add3A_285 {offsets = [0, 0], sizes = [400, 128], strides = [1, 1]} : vector<400x384xf32> to vector<400x128xf32>
    %add3A_288 = arith.addf %slice3A_286, %slice3A_287 : vector<400x128xf32>
    %logistic3A_289 = arith.negf %add3A_288 : vector<400x128xf32>
    %logistic3A_290 = math.exp %logistic3A_289 : vector<400x128xf32>
    %logistic3A_291 = arith.constant 1.000000e+00 : f32
    %logistic3A_292 = vector.broadcast %logistic3A_291 : f32 to vector<400x128xf32>
    %logistic3A_293 = arith.addf %logistic3A_292, %logistic3A_290 : vector<400x128xf32>
    %logistic3A_294 = arith.divf %logistic3A_292, %logistic3A_293 : vector<400x128xf32>
    %slice3A_295 = vector.extract_strided_slice %slice3A_281 {offsets = [0, 128], sizes = [400, 128], strides = [1, 1]} : vector<400x384xf32> to vector<400x128xf32>
    %slice3A_296 = vector.extract_strided_slice %add3A_285 {offsets = [0, 128], sizes = [400, 128], strides = [1, 1]} : vector<400x384xf32> to vector<400x128xf32>
    %add3A_297 = arith.addf %slice3A_295, %slice3A_296 : vector<400x128xf32>
    %logistic3A_298 = arith.negf %add3A_297 : vector<400x128xf32>
    %logistic3A_299 = math.exp %logistic3A_298 : vector<400x128xf32>
    %logistic3A_300 = arith.constant 1.000000e+00 : f32
    %logistic3A_301 = vector.broadcast %logistic3A_300 : f32 to vector<400x128xf32>
    %logistic3A_302 = arith.addf %logistic3A_301, %logistic3A_299 : vector<400x128xf32>
    %logistic3A_303 = arith.divf %logistic3A_301, %logistic3A_302 : vector<400x128xf32>
    %slice3A_304 = vector.extract_strided_slice %slice3A_281 {offsets = [0, 256], sizes = [400, 128], strides = [1, 1]} : vector<400x384xf32> to vector<400x128xf32>
    %slice3A_305 = vector.extract_strided_slice %add3A_285 {offsets = [0, 256], sizes = [400, 128], strides = [1, 1]} : vector<400x384xf32> to vector<400x128xf32>
    %mul3A_306 = arith.mulf %logistic3A_294, %slice3A_305 : vector<400x128xf32>
    %add3A_307 = arith.addf %slice3A_304, %mul3A_306 : vector<400x128xf32>
    %tanh3A_308 = math.tanh %add3A_307 : vector<400x128xf32>
    %sub3A_309 = arith.constant 1.000000e+00 : f32
    %sub3A_310 = vector.broadcast %sub3A_309 : f32 to vector<400x128xf32>
    %sub3A_311 = arith.subf %sub3A_310, %logistic3A_303 : vector<400x128xf32>
    %mul3A_312 = arith.mulf %sub3A_311, %tanh3A_308 : vector<400x128xf32>
    %mul3A_313 = arith.mulf %logistic3A_303, %add3A_280 : vector<400x128xf32>
    %add3A_314 = arith.addf %mul3A_312, %mul3A_313 : vector<400x128xf32>
    %slice3A_315 = vector.extract_strided_slice %add3A_16 {offsets = [3600, 0], sizes = [400, 384], strides = [1, 1]} : vector<6400x384xf32> to vector<400x384xf32>
    %dot_general3A_316 = arith.constant dense<0.000000e+00> : vector<400x384xf32>
    %dot_general3A_317 = tpu.matmul %add3A_314, %get3A_4, %dot_general3A_316 {dimension_numbers = #tpu.dot_dimension_numbers<[1], [0], [0], [1], [0, 0, 1, 1], [], []>, transpose_lhs_hint = false} : vector<400x128xf32>, vector<128x384xf32>, vector<400x384xf32> -> vector<400x384xf32>
    %add3A_318 = vector.broadcast %get3A_10 : vector<1x384xf32> to vector<400x384xf32>
    %add3A_319 = arith.addf %dot_general3A_317, %add3A_318 : vector<400x384xf32>
    %slice3A_320 = vector.extract_strided_slice %slice3A_315 {offsets = [0, 0], sizes = [400, 128], strides = [1, 1]} : vector<400x384xf32> to vector<400x128xf32>
    %slice3A_321 = vector.extract_strided_slice %add3A_319 {offsets = [0, 0], sizes = [400, 128], strides = [1, 1]} : vector<400x384xf32> to vector<400x128xf32>
    %add3A_322 = arith.addf %slice3A_320, %slice3A_321 : vector<400x128xf32>
    %logistic3A_323 = arith.negf %add3A_322 : vector<400x128xf32>
    %logistic3A_324 = math.exp %logistic3A_323 : vector<400x128xf32>
    %logistic3A_325 = arith.constant 1.000000e+00 : f32
    %logistic3A_326 = vector.broadcast %logistic3A_325 : f32 to vector<400x128xf32>
    %logistic3A_327 = arith.addf %logistic3A_326, %logistic3A_324 : vector<400x128xf32>
    %logistic3A_328 = arith.divf %logistic3A_326, %logistic3A_327 : vector<400x128xf32>
    %slice3A_329 = vector.extract_strided_slice %slice3A_315 {offsets = [0, 128], sizes = [400, 128], strides = [1, 1]} : vector<400x384xf32> to vector<400x128xf32>
    %slice3A_330 = vector.extract_strided_slice %add3A_319 {offsets = [0, 128], sizes = [400, 128], strides = [1, 1]} : vector<400x384xf32> to vector<400x128xf32>
    %add3A_331 = arith.addf %slice3A_329, %slice3A_330 : vector<400x128xf32>
    %logistic3A_332 = arith.negf %add3A_331 : vector<400x128xf32>
    %logistic3A_333 = math.exp %logistic3A_332 : vector<400x128xf32>
    %logistic3A_334 = arith.constant 1.000000e+00 : f32
    %logistic3A_335 = vector.broadcast %logistic3A_334 : f32 to vector<400x128xf32>
    %logistic3A_336 = arith.addf %logistic3A_335, %logistic3A_333 : vector<400x128xf32>
    %logistic3A_337 = arith.divf %logistic3A_335, %logistic3A_336 : vector<400x128xf32>
    %slice3A_338 = vector.extract_strided_slice %slice3A_315 {offsets = [0, 256], sizes = [400, 128], strides = [1, 1]} : vector<400x384xf32> to vector<400x128xf32>
    %slice3A_339 = vector.extract_strided_slice %add3A_319 {offsets = [0, 256], sizes = [400, 128], strides = [1, 1]} : vector<400x384xf32> to vector<400x128xf32>
    %mul3A_340 = arith.mulf %logistic3A_328, %slice3A_339 : vector<400x128xf32>
    %add3A_341 = arith.addf %slice3A_338, %mul3A_340 : vector<400x128xf32>
    %tanh3A_342 = math.tanh %add3A_341 : vector<400x128xf32>
    %sub3A_343 = arith.constant 1.000000e+00 : f32
    %sub3A_344 = vector.broadcast %sub3A_343 : f32 to vector<400x128xf32>
    %sub3A_345 = arith.subf %sub3A_344, %logistic3A_337 : vector<400x128xf32>
    %mul3A_346 = arith.mulf %sub3A_345, %tanh3A_342 : vector<400x128xf32>
    %mul3A_347 = arith.mulf %logistic3A_337, %add3A_314 : vector<400x128xf32>
    %add3A_348 = arith.addf %mul3A_346, %mul3A_347 : vector<400x128xf32>
    %slice3A_349 = vector.extract_strided_slice %add3A_16 {offsets = [4000, 0], sizes = [400, 384], strides = [1, 1]} : vector<6400x384xf32> to vector<400x384xf32>
    %dot_general3A_350 = arith.constant dense<0.000000e+00> : vector<400x384xf32>
    %dot_general3A_351 = tpu.matmul %add3A_348, %get3A_4, %dot_general3A_350 {dimension_numbers = #tpu.dot_dimension_numbers<[1], [0], [0], [1], [0, 0, 1, 1], [], []>, transpose_lhs_hint = false} : vector<400x128xf32>, vector<128x384xf32>, vector<400x384xf32> -> vector<400x384xf32>
    %add3A_352 = vector.broadcast %get3A_10 : vector<1x384xf32> to vector<400x384xf32>
    %add3A_353 = arith.addf %dot_general3A_351, %add3A_352 : vector<400x384xf32>
    %slice3A_354 = vector.extract_strided_slice %slice3A_349 {offsets = [0, 0], sizes = [400, 128], strides = [1, 1]} : vector<400x384xf32> to vector<400x128xf32>
    %slice3A_355 = vector.extract_strided_slice %add3A_353 {offsets = [0, 0], sizes = [400, 128], strides = [1, 1]} : vector<400x384xf32> to vector<400x128xf32>
    %add3A_356 = arith.addf %slice3A_354, %slice3A_355 : vector<400x128xf32>
    %logistic3A_357 = arith.negf %add3A_356 : vector<400x128xf32>
    %logistic3A_358 = math.exp %logistic3A_357 : vector<400x128xf32>
    %logistic3A_359 = arith.constant 1.000000e+00 : f32
    %logistic3A_360 = vector.broadcast %logistic3A_359 : f32 to vector<400x128xf32>
    %logistic3A_361 = arith.addf %logistic3A_360, %logistic3A_358 : vector<400x128xf32>
    %logistic3A_362 = arith.divf %logistic3A_360, %logistic3A_361 : vector<400x128xf32>
    %slice3A_363 = vector.extract_strided_slice %slice3A_349 {offsets = [0, 128], sizes = [400, 128], strides = [1, 1]} : vector<400x384xf32> to vector<400x128xf32>
    %slice3A_364 = vector.extract_strided_slice %add3A_353 {offsets = [0, 128], sizes = [400, 128], strides = [1, 1]} : vector<400x384xf32> to vector<400x128xf32>
    %add3A_365 = arith.addf %slice3A_363, %slice3A_364 : vector<400x128xf32>
    %logistic3A_366 = arith.negf %add3A_365 : vector<400x128xf32>
    %logistic3A_367 = math.exp %logistic3A_366 : vector<400x128xf32>
    %logistic3A_368 = arith.constant 1.000000e+00 : f32
    %logistic3A_369 = vector.broadcast %logistic3A_368 : f32 to vector<400x128xf32>
    %logistic3A_370 = arith.addf %logistic3A_369, %logistic3A_367 : vector<400x128xf32>
    %logistic3A_371 = arith.divf %logistic3A_369, %logistic3A_370 : vector<400x128xf32>
    %slice3A_372 = vector.extract_strided_slice %slice3A_349 {offsets = [0, 256], sizes = [400, 128], strides = [1, 1]} : vector<400x384xf32> to vector<400x128xf32>
    %slice3A_373 = vector.extract_strided_slice %add3A_353 {offsets = [0, 256], sizes = [400, 128], strides = [1, 1]} : vector<400x384xf32> to vector<400x128xf32>
    %mul3A_374 = arith.mulf %logistic3A_362, %slice3A_373 : vector<400x128xf32>
    %add3A_375 = arith.addf %slice3A_372, %mul3A_374 : vector<400x128xf32>
    %tanh3A_376 = math.tanh %add3A_375 : vector<400x128xf32>
    %sub3A_377 = arith.constant 1.000000e+00 : f32
    %sub3A_378 = vector.broadcast %sub3A_377 : f32 to vector<400x128xf32>
    %sub3A_379 = arith.subf %sub3A_378, %logistic3A_371 : vector<400x128xf32>
    %mul3A_380 = arith.mulf %sub3A_379, %tanh3A_376 : vector<400x128xf32>
    %mul3A_381 = arith.mulf %logistic3A_371, %add3A_348 : vector<400x128xf32>
    %add3A_382 = arith.addf %mul3A_380, %mul3A_381 : vector<400x128xf32>
    %slice3A_383 = vector.extract_strided_slice %add3A_16 {offsets = [4400, 0], sizes = [400, 384], strides = [1, 1]} : vector<6400x384xf32> to vector<400x384xf32>
    %dot_general3A_384 = arith.constant dense<0.000000e+00> : vector<400x384xf32>
    %dot_general3A_385 = tpu.matmul %add3A_382, %get3A_4, %dot_general3A_384 {dimension_numbers = #tpu.dot_dimension_numbers<[1], [0], [0], [1], [0, 0, 1, 1], [], []>, transpose_lhs_hint = false} : vector<400x128xf32>, vector<128x384xf32>, vector<400x384xf32> -> vector<400x384xf32>
    %add3A_386 = vector.broadcast %get3A_10 : vector<1x384xf32> to vector<400x384xf32>
    %add3A_387 = arith.addf %dot_general3A_385, %add3A_386 : vector<400x384xf32>
    %slice3A_388 = vector.extract_strided_slice %slice3A_383 {offsets = [0, 0], sizes = [400, 128], strides = [1, 1]} : vector<400x384xf32> to vector<400x128xf32>
    %slice3A_389 = vector.extract_strided_slice %add3A_387 {offsets = [0, 0], sizes = [400, 128], strides = [1, 1]} : vector<400x384xf32> to vector<400x128xf32>
    %add3A_390 = arith.addf %slice3A_388, %slice3A_389 : vector<400x128xf32>
    %logistic3A_391 = arith.negf %add3A_390 : vector<400x128xf32>
    %logistic3A_392 = math.exp %logistic3A_391 : vector<400x128xf32>
    %logistic3A_393 = arith.constant 1.000000e+00 : f32
    %logistic3A_394 = vector.broadcast %logistic3A_393 : f32 to vector<400x128xf32>
    %logistic3A_395 = arith.addf %logistic3A_394, %logistic3A_392 : vector<400x128xf32>
    %logistic3A_396 = arith.divf %logistic3A_394, %logistic3A_395 : vector<400x128xf32>
    %slice3A_397 = vector.extract_strided_slice %slice3A_383 {offsets = [0, 128], sizes = [400, 128], strides = [1, 1]} : vector<400x384xf32> to vector<400x128xf32>
    %slice3A_398 = vector.extract_strided_slice %add3A_387 {offsets = [0, 128], sizes = [400, 128], strides = [1, 1]} : vector<400x384xf32> to vector<400x128xf32>
    %add3A_399 = arith.addf %slice3A_397, %slice3A_398 : vector<400x128xf32>
    %logistic3A_400 = arith.negf %add3A_399 : vector<400x128xf32>
    %logistic3A_401 = math.exp %logistic3A_400 : vector<400x128xf32>
    %logistic3A_402 = arith.constant 1.000000e+00 : f32
    %logistic3A_403 = vector.broadcast %logistic3A_402 : f32 to vector<400x128xf32>
    %logistic3A_404 = arith.addf %logistic3A_403, %logistic3A_401 : vector<400x128xf32>
    %logistic3A_405 = arith.divf %logistic3A_403, %logistic3A_404 : vector<400x128xf32>
    %slice3A_406 = vector.extract_strided_slice %slice3A_383 {offsets = [0, 256], sizes = [400, 128], strides = [1, 1]} : vector<400x384xf32> to vector<400x128xf32>
    %slice3A_407 = vector.extract_strided_slice %add3A_387 {offsets = [0, 256], sizes = [400, 128], strides = [1, 1]} : vector<400x384xf32> to vector<400x128xf32>
    %mul3A_408 = arith.mulf %logistic3A_396, %slice3A_407 : vector<400x128xf32>
    %add3A_409 = arith.addf %slice3A_406, %mul3A_408 : vector<400x128xf32>
    %tanh3A_410 = math.tanh %add3A_409 : vector<400x128xf32>
    %sub3A_411 = arith.constant 1.000000e+00 : f32
    %sub3A_412 = vector.broadcast %sub3A_411 : f32 to vector<400x128xf32>
    %sub3A_413 = arith.subf %sub3A_412, %logistic3A_405 : vector<400x128xf32>
    %mul3A_414 = arith.mulf %sub3A_413, %tanh3A_410 : vector<400x128xf32>
    %mul3A_415 = arith.mulf %logistic3A_405, %add3A_382 : vector<400x128xf32>
    %add3A_416 = arith.addf %mul3A_414, %mul3A_415 : vector<400x128xf32>
    %slice3A_417 = vector.extract_strided_slice %add3A_16 {offsets = [4800, 0], sizes = [400, 384], strides = [1, 1]} : vector<6400x384xf32> to vector<400x384xf32>
    %dot_general3A_418 = arith.constant dense<0.000000e+00> : vector<400x384xf32>
    %dot_general3A_419 = tpu.matmul %add3A_416, %get3A_4, %dot_general3A_418 {dimension_numbers = #tpu.dot_dimension_numbers<[1], [0], [0], [1], [0, 0, 1, 1], [], []>, transpose_lhs_hint = false} : vector<400x128xf32>, vector<128x384xf32>, vector<400x384xf32> -> vector<400x384xf32>
    %add3A_420 = vector.broadcast %get3A_10 : vector<1x384xf32> to vector<400x384xf32>
    %add3A_421 = arith.addf %dot_general3A_419, %add3A_420 : vector<400x384xf32>
    %slice3A_422 = vector.extract_strided_slice %slice3A_417 {offsets = [0, 0], sizes = [400, 128], strides = [1, 1]} : vector<400x384xf32> to vector<400x128xf32>
    %slice3A_423 = vector.extract_strided_slice %add3A_421 {offsets = [0, 0], sizes = [400, 128], strides = [1, 1]} : vector<400x384xf32> to vector<400x128xf32>
    %add3A_424 = arith.addf %slice3A_422, %slice3A_423 : vector<400x128xf32>
    %logistic3A_425 = arith.negf %add3A_424 : vector<400x128xf32>
    %logistic3A_426 = math.exp %logistic3A_425 : vector<400x128xf32>
    %logistic3A_427 = arith.constant 1.000000e+00 : f32
    %logistic3A_428 = vector.broadcast %logistic3A_427 : f32 to vector<400x128xf32>
    %logistic3A_429 = arith.addf %logistic3A_428, %logistic3A_426 : vector<400x128xf32>
    %logistic3A_430 = arith.divf %logistic3A_428, %logistic3A_429 : vector<400x128xf32>
    %slice3A_431 = vector.extract_strided_slice %slice3A_417 {offsets = [0, 128], sizes = [400, 128], strides = [1, 1]} : vector<400x384xf32> to vector<400x128xf32>
    %slice3A_432 = vector.extract_strided_slice %add3A_421 {offsets = [0, 128], sizes = [400, 128], strides = [1, 1]} : vector<400x384xf32> to vector<400x128xf32>
    %add3A_433 = arith.addf %slice3A_431, %slice3A_432 : vector<400x128xf32>
    %logistic3A_434 = arith.negf %add3A_433 : vector<400x128xf32>
    %logistic3A_435 = math.exp %logistic3A_434 : vector<400x128xf32>
    %logistic3A_436 = arith.constant 1.000000e+00 : f32
    %logistic3A_437 = vector.broadcast %logistic3A_436 : f32 to vector<400x128xf32>
    %logistic3A_438 = arith.addf %logistic3A_437, %logistic3A_435 : vector<400x128xf32>
    %logistic3A_439 = arith.divf %logistic3A_437, %logistic3A_438 : vector<400x128xf32>
    %slice3A_440 = vector.extract_strided_slice %slice3A_417 {offsets = [0, 256], sizes = [400, 128], strides = [1, 1]} : vector<400x384xf32> to vector<400x128xf32>
    %slice3A_441 = vector.extract_strided_slice %add3A_421 {offsets = [0, 256], sizes = [400, 128], strides = [1, 1]} : vector<400x384xf32> to vector<400x128xf32>
    %mul3A_442 = arith.mulf %logistic3A_430, %slice3A_441 : vector<400x128xf32>
    %add3A_443 = arith.addf %slice3A_440, %mul3A_442 : vector<400x128xf32>
    %tanh3A_444 = math.tanh %add3A_443 : vector<400x128xf32>
    %sub3A_445 = arith.constant 1.000000e+00 : f32
    %sub3A_446 = vector.broadcast %sub3A_445 : f32 to vector<400x128xf32>
    %sub3A_447 = arith.subf %sub3A_446, %logistic3A_439 : vector<400x128xf32>
    %mul3A_448 = arith.mulf %sub3A_447, %tanh3A_444 : vector<400x128xf32>
    %mul3A_449 = arith.mulf %logistic3A_439, %add3A_416 : vector<400x128xf32>
    %add3A_450 = arith.addf %mul3A_448, %mul3A_449 : vector<400x128xf32>
    %slice3A_451 = vector.extract_strided_slice %add3A_16 {offsets = [5200, 0], sizes = [400, 384], strides = [1, 1]} : vector<6400x384xf32> to vector<400x384xf32>
    %dot_general3A_452 = arith.constant dense<0.000000e+00> : vector<400x384xf32>
    %dot_general3A_453 = tpu.matmul %add3A_450, %get3A_4, %dot_general3A_452 {dimension_numbers = #tpu.dot_dimension_numbers<[1], [0], [0], [1], [0, 0, 1, 1], [], []>, transpose_lhs_hint = false} : vector<400x128xf32>, vector<128x384xf32>, vector<400x384xf32> -> vector<400x384xf32>
    %add3A_454 = vector.broadcast %get3A_10 : vector<1x384xf32> to vector<400x384xf32>
    %add3A_455 = arith.addf %dot_general3A_453, %add3A_454 : vector<400x384xf32>
    %slice3A_456 = vector.extract_strided_slice %slice3A_451 {offsets = [0, 0], sizes = [400, 128], strides = [1, 1]} : vector<400x384xf32> to vector<400x128xf32>
    %slice3A_457 = vector.extract_strided_slice %add3A_455 {offsets = [0, 0], sizes = [400, 128], strides = [1, 1]} : vector<400x384xf32> to vector<400x128xf32>
    %add3A_458 = arith.addf %slice3A_456, %slice3A_457 : vector<400x128xf32>
    %logistic3A_459 = arith.negf %add3A_458 : vector<400x128xf32>
    %logistic3A_460 = math.exp %logistic3A_459 : vector<400x128xf32>
    %logistic3A_461 = arith.constant 1.000000e+00 : f32
    %logistic3A_462 = vector.broadcast %logistic3A_461 : f32 to vector<400x128xf32>
    %logistic3A_463 = arith.addf %logistic3A_462, %logistic3A_460 : vector<400x128xf32>
    %logistic3A_464 = arith.divf %logistic3A_462, %logistic3A_463 : vector<400x128xf32>
    %slice3A_465 = vector.extract_strided_slice %slice3A_451 {offsets = [0, 128], sizes = [400, 128], strides = [1, 1]} : vector<400x384xf32> to vector<400x128xf32>
    %slice3A_466 = vector.extract_strided_slice %add3A_455 {offsets = [0, 128], sizes = [400, 128], strides = [1, 1]} : vector<400x384xf32> to vector<400x128xf32>
    %add3A_467 = arith.addf %slice3A_465, %slice3A_466 : vector<400x128xf32>
    %logistic3A_468 = arith.negf %add3A_467 : vector<400x128xf32>
    %logistic3A_469 = math.exp %logistic3A_468 : vector<400x128xf32>
    %logistic3A_470 = arith.constant 1.000000e+00 : f32
    %logistic3A_471 = vector.broadcast %logistic3A_470 : f32 to vector<400x128xf32>
    %logistic3A_472 = arith.addf %logistic3A_471, %logistic3A_469 : vector<400x128xf32>
    %logistic3A_473 = arith.divf %logistic3A_471, %logistic3A_472 : vector<400x128xf32>
    %slice3A_474 = vector.extract_strided_slice %slice3A_451 {offsets = [0, 256], sizes = [400, 128], strides = [1, 1]} : vector<400x384xf32> to vector<400x128xf32>
    %slice3A_475 = vector.extract_strided_slice %add3A_455 {offsets = [0, 256], sizes = [400, 128], strides = [1, 1]} : vector<400x384xf32> to vector<400x128xf32>
    %mul3A_476 = arith.mulf %logistic3A_464, %slice3A_475 : vector<400x128xf32>
    %add3A_477 = arith.addf %slice3A_474, %mul3A_476 : vector<400x128xf32>
    %tanh3A_478 = math.tanh %add3A_477 : vector<400x128xf32>
    %sub3A_479 = arith.constant 1.000000e+00 : f32
    %sub3A_480 = vector.broadcast %sub3A_479 : f32 to vector<400x128xf32>
    %sub3A_481 = arith.subf %sub3A_480, %logistic3A_473 : vector<400x128xf32>
    %mul3A_482 = arith.mulf %sub3A_481, %tanh3A_478 : vector<400x128xf32>
    %mul3A_483 = arith.mulf %logistic3A_473, %add3A_450 : vector<400x128xf32>
    %add3A_484 = arith.addf %mul3A_482, %mul3A_483 : vector<400x128xf32>
    %slice3A_485 = vector.extract_strided_slice %add3A_16 {offsets = [5600, 0], sizes = [400, 384], strides = [1, 1]} : vector<6400x384xf32> to vector<400x384xf32>
    %dot_general3A_486 = arith.constant dense<0.000000e+00> : vector<400x384xf32>
    %dot_general3A_487 = tpu.matmul %add3A_484, %get3A_4, %dot_general3A_486 {dimension_numbers = #tpu.dot_dimension_numbers<[1], [0], [0], [1], [0, 0, 1, 1], [], []>, transpose_lhs_hint = false} : vector<400x128xf32>, vector<128x384xf32>, vector<400x384xf32> -> vector<400x384xf32>
    %add3A_488 = vector.broadcast %get3A_10 : vector<1x384xf32> to vector<400x384xf32>
    %add3A_489 = arith.addf %dot_general3A_487, %add3A_488 : vector<400x384xf32>
    %slice3A_490 = vector.extract_strided_slice %slice3A_485 {offsets = [0, 0], sizes = [400, 128], strides = [1, 1]} : vector<400x384xf32> to vector<400x128xf32>
    %slice3A_491 = vector.extract_strided_slice %add3A_489 {offsets = [0, 0], sizes = [400, 128], strides = [1, 1]} : vector<400x384xf32> to vector<400x128xf32>
    %add3A_492 = arith.addf %slice3A_490, %slice3A_491 : vector<400x128xf32>
    %logistic3A_493 = arith.negf %add3A_492 : vector<400x128xf32>
    %logistic3A_494 = math.exp %logistic3A_493 : vector<400x128xf32>
    %logistic3A_495 = arith.constant 1.000000e+00 : f32
    %logistic3A_496 = vector.broadcast %logistic3A_495 : f32 to vector<400x128xf32>
    %logistic3A_497 = arith.addf %logistic3A_496, %logistic3A_494 : vector<400x128xf32>
    %logistic3A_498 = arith.divf %logistic3A_496, %logistic3A_497 : vector<400x128xf32>
    %slice3A_499 = vector.extract_strided_slice %slice3A_485 {offsets = [0, 128], sizes = [400, 128], strides = [1, 1]} : vector<400x384xf32> to vector<400x128xf32>
    %slice3A_500 = vector.extract_strided_slice %add3A_489 {offsets = [0, 128], sizes = [400, 128], strides = [1, 1]} : vector<400x384xf32> to vector<400x128xf32>
    %add3A_501 = arith.addf %slice3A_499, %slice3A_500 : vector<400x128xf32>
    %logistic3A_502 = arith.negf %add3A_501 : vector<400x128xf32>
    %logistic3A_503 = math.exp %logistic3A_502 : vector<400x128xf32>
    %logistic3A_504 = arith.constant 1.000000e+00 : f32
    %logistic3A_505 = vector.broadcast %logistic3A_504 : f32 to vector<400x128xf32>
    %logistic3A_506 = arith.addf %logistic3A_505, %logistic3A_503 : vector<400x128xf32>
    %logistic3A_507 = arith.divf %logistic3A_505, %logistic3A_506 : vector<400x128xf32>
    %slice3A_508 = vector.extract_strided_slice %slice3A_485 {offsets = [0, 256], sizes = [400, 128], strides = [1, 1]} : vector<400x384xf32> to vector<400x128xf32>
    %slice3A_509 = vector.extract_strided_slice %add3A_489 {offsets = [0, 256], sizes = [400, 128], strides = [1, 1]} : vector<400x384xf32> to vector<400x128xf32>
    %mul3A_510 = arith.mulf %logistic3A_498, %slice3A_509 : vector<400x128xf32>
    %add3A_511 = arith.addf %slice3A_508, %mul3A_510 : vector<400x128xf32>
    %tanh3A_512 = math.tanh %add3A_511 : vector<400x128xf32>
    %sub3A_513 = arith.constant 1.000000e+00 : f32
    %sub3A_514 = vector.broadcast %sub3A_513 : f32 to vector<400x128xf32>
    %sub3A_515 = arith.subf %sub3A_514, %logistic3A_507 : vector<400x128xf32>
    %mul3A_516 = arith.mulf %sub3A_515, %tanh3A_512 : vector<400x128xf32>
    %mul3A_517 = arith.mulf %logistic3A_507, %add3A_484 : vector<400x128xf32>
    %add3A_518 = arith.addf %mul3A_516, %mul3A_517 : vector<400x128xf32>
    %slice3A_519 = vector.extract_strided_slice %add3A_16 {offsets = [6000, 0], sizes = [400, 384], strides = [1, 1]} : vector<6400x384xf32> to vector<400x384xf32>
    %dot_general3A_520 = arith.constant dense<0.000000e+00> : vector<400x384xf32>
    %dot_general3A_521 = tpu.matmul %add3A_518, %get3A_4, %dot_general3A_520 {dimension_numbers = #tpu.dot_dimension_numbers<[1], [0], [0], [1], [0, 0, 1, 1], [], []>, transpose_lhs_hint = false} : vector<400x128xf32>, vector<128x384xf32>, vector<400x384xf32> -> vector<400x384xf32>
    %add3A_522 = vector.broadcast %get3A_10 : vector<1x384xf32> to vector<400x384xf32>
    %add3A_523 = arith.addf %dot_general3A_521, %add3A_522 : vector<400x384xf32>
    %slice3A_524 = vector.extract_strided_slice %slice3A_519 {offsets = [0, 0], sizes = [400, 128], strides = [1, 1]} : vector<400x384xf32> to vector<400x128xf32>
    %slice3A_525 = vector.extract_strided_slice %add3A_523 {offsets = [0, 0], sizes = [400, 128], strides = [1, 1]} : vector<400x384xf32> to vector<400x128xf32>
    %add3A_526 = arith.addf %slice3A_524, %slice3A_525 : vector<400x128xf32>
    %logistic3A_527 = arith.negf %add3A_526 : vector<400x128xf32>
    %logistic3A_528 = math.exp %logistic3A_527 : vector<400x128xf32>
    %logistic3A_529 = arith.constant 1.000000e+00 : f32
    %logistic3A_530 = vector.broadcast %logistic3A_529 : f32 to vector<400x128xf32>
    %logistic3A_531 = arith.addf %logistic3A_530, %logistic3A_528 : vector<400x128xf32>
    %logistic3A_532 = arith.divf %logistic3A_530, %logistic3A_531 : vector<400x128xf32>
    %slice3A_533 = vector.extract_strided_slice %slice3A_519 {offsets = [0, 128], sizes = [400, 128], strides = [1, 1]} : vector<400x384xf32> to vector<400x128xf32>
    %slice3A_534 = vector.extract_strided_slice %add3A_523 {offsets = [0, 128], sizes = [400, 128], strides = [1, 1]} : vector<400x384xf32> to vector<400x128xf32>
    %add3A_535 = arith.addf %slice3A_533, %slice3A_534 : vector<400x128xf32>
    %logistic3A_536 = arith.negf %add3A_535 : vector<400x128xf32>
    %logistic3A_537 = math.exp %logistic3A_536 : vector<400x128xf32>
    %logistic3A_538 = arith.constant 1.000000e+00 : f32
    %logistic3A_539 = vector.broadcast %logistic3A_538 : f32 to vector<400x128xf32>
    %logistic3A_540 = arith.addf %logistic3A_539, %logistic3A_537 : vector<400x128xf32>
    %logistic3A_541 = arith.divf %logistic3A_539, %logistic3A_540 : vector<400x128xf32>
    %slice3A_542 = vector.extract_strided_slice %slice3A_519 {offsets = [0, 256], sizes = [400, 128], strides = [1, 1]} : vector<400x384xf32> to vector<400x128xf32>
    %slice3A_543 = vector.extract_strided_slice %add3A_523 {offsets = [0, 256], sizes = [400, 128], strides = [1, 1]} : vector<400x384xf32> to vector<400x128xf32>
    %mul3A_544 = arith.mulf %logistic3A_532, %slice3A_543 : vector<400x128xf32>
    %add3A_545 = arith.addf %slice3A_542, %mul3A_544 : vector<400x128xf32>
    %tanh3A_546 = math.tanh %add3A_545 : vector<400x128xf32>
    %sub3A_547 = arith.constant 1.000000e+00 : f32
    %sub3A_548 = vector.broadcast %sub3A_547 : f32 to vector<400x128xf32>
    %sub3A_549 = arith.subf %sub3A_548, %logistic3A_541 : vector<400x128xf32>
    %mul3A_550 = arith.mulf %sub3A_549, %tanh3A_546 : vector<400x128xf32>
    %mul3A_551 = arith.mulf %logistic3A_541, %add3A_518 : vector<400x128xf32>
    %add3A_552 = arith.addf %mul3A_550, %mul3A_551 : vector<400x128xf32>
    %get3A_553 = arith.constant 0 : index
    %get3A_554 = arith.constant 0 : index
    %get3A_555 = vector.load %arg2[%get3A_553, %get3A_554] : memref<400x128xf32, #tpu.memory_space<vmem>>, vector<400x128xf32>
    %get3A_556 = arith.constant 0 : index
    %get3A_557 = arith.constant 0 : index
    %get3A_558 = vector.load %arg7[%get3A_556, %get3A_557] : memref<128x128xf32, #tpu.memory_space<vmem>>, vector<128x128xf32>
    %dot_general3A_559 = arith.constant dense<0.000000e+00> : vector<400x128xf32>
    %dot_general3A_560 = tpu.matmul %get3A_555, %get3A_558, %dot_general3A_559 {dimension_numbers = #tpu.dot_dimension_numbers<[1], [0], [0], [1], [0, 0, 1, 1], [], []>, transpose_lhs_hint = false} : vector<400x128xf32>, vector<128x128xf32>, vector<400x128xf32> -> vector<400x128xf32>
    %get3A_561 = arith.constant 0 : index
    %get3A_562 = arith.constant 0 : index
    %get3A_563 = vector.load %arg9[%get3A_561, %get3A_562] : memref<1x128xf32, #tpu.memory_space<vmem>>, vector<1x128xf32>
    %add3A_564 = vector.broadcast %get3A_563 : vector<1x128xf32> to vector<400x128xf32>
    %add3A_565 = arith.addf %dot_general3A_560, %add3A_564 : vector<400x128xf32>
    %get3A_566 = arith.constant 0 : index
    %get3A_567 = arith.constant 0 : index
    %get3A_568 = vector.load %arg8[%get3A_566, %get3A_567] : memref<128x128xf32, #tpu.memory_space<vmem>>, vector<128x128xf32>
    %dot_general3A_569 = arith.constant dense<0.000000e+00> : vector<400x128xf32>
    %dot_general3A_570 = tpu.matmul %add3A_552, %get3A_568, %dot_general3A_569 {dimension_numbers = #tpu.dot_dimension_numbers<[1], [0], [0], [1], [0, 0, 1, 1], [], []>, transpose_lhs_hint = false} : vector<400x128xf32>, vector<128x128xf32>, vector<400x128xf32> -> vector<400x128xf32>
    %add3A_571 = arith.addf %add3A_565, %dot_general3A_570 : vector<400x128xf32>
    %swap3A = arith.constant 0 : index
    %swap3A_572 = arith.constant 0 : index
    %swap3A_573 = vector.load %arg10[%swap3A, %swap3A_572] : memref<400x128xf32, #tpu.memory_space<vmem>>, vector<400x128xf32>
    tpu.vector_store %arg10[%swap3A, %swap3A_572], %add3A_571 {strides = array<i32>} : memref<400x128xf32, #tpu.memory_space<vmem>>, vector<400x128xf32>,
    return
  }
  func.func @transform_0(%arg0: i32) -> (i32, i32, i32) {
    %c0_i32 = arith.constant 0 : i32
    %c0_i32_0 = arith.constant 0 : i32
    %c0_i32_1 = arith.constant 0 : i32
    return %c0_i32, %arg0, %c0_i32_0 : i32, i32, i32
  }
  func.func @transform_1(%arg0: i32) -> (i32, i32) {
    %c0_i32 = arith.constant 0 : i32
    %c0_i32_0 = arith.constant 0 : i32
    return %arg0, %c0_i32 : i32, i32
  }
  func.func @transform_2(%arg0: i32) -> (i32, i32) {
    %c0_i32 = arith.constant 0 : i32
    %c0_i32_0 = arith.constant 0 : i32
    %c0_i32_1 = arith.constant 0 : i32
    return %c0_i32, %c0_i32_0 : i32, i32
  }
  func.func @transform_3(%arg0: i32) -> (i32, i32) {
    %c0_i32 = arith.constant 0 : i32
    %c0_i32_0 = arith.constant 0 : i32
    %c0_i32_1 = arith.constant 0 : i32
    return %c0_i32, %c0_i32_0 : i32, i32
  }
  func.func @transform_4(%arg0: i32) -> (i32, i32) {
    %c0_i32 = arith.constant 0 : i32
    %c0_i32_0 = arith.constant 0 : i32
    %c0_i32_1 = arith.constant 0 : i32
    return %c0_i32, %c0_i32_0 : i32, i32
  }
  func.func @transform_5(%arg0: i32) -> (i32, i32) {
    %c0_i32 = arith.constant 0 : i32
    %c0_i32_0 = arith.constant 0 : i32
    %c0_i32_1 = arith.constant 0 : i32
    return %c0_i32, %c0_i32_0 : i32, i32
  }
  func.func @transform_6(%arg0: i32) -> (i32, i32) {
    %c0_i32 = arith.constant 0 : i32
    %c0_i32_0 = arith.constant 0 : i32
    %c0_i32_1 = arith.constant 0 : i32
    return %c0_i32, %c0_i32_0 : i32, i32
  }
  func.func @transform_7(%arg0: i32) -> (i32, i32) {
    %c0_i32 = arith.constant 0 : i32
    %c0_i32_0 = arith.constant 0 : i32
    %c0_i32_1 = arith.constant 0 : i32
    return %c0_i32, %c0_i32_0 : i32, i32
  }
  func.func @transform_8(%arg0: i32) -> (i32, i32) {
    %c0_i32 = arith.constant 0 : i32
    %c0_i32_0 = arith.constant 0 : i32
    %c0_i32_1 = arith.constant 0 : i32
    return %c0_i32, %c0_i32_0 : i32, i32
  }
  func.func @transform_9(%arg0: i32) -> (i32, i32) {
    %c0_i32 = arith.constant 0 : i32
    %c0_i32_0 = arith.constant 0 : i32
    return %arg0, %c0_i32 : i32, i32
  }
}

</mosaic_0001>

<sc_bundles>
// kernel: kernel.4.cloned.1.call-start
scs
__scs_entry_jumppad:
0x0: {  	(pc) =	sbr.rel $0x88, $3  }
0x1: {  	(tag) =	ssettag $0x0;
	lr =	simm.s32 $0x1  }
0x2: {  	[smem:$0x3F95] =	sst lr;
	_ =	strace $0xD0000000  }
0x3: {  	_ = 	snop  }
0x4: {  	_ = 	snop  }
0x5: {  	_ = 	snop  }
0x6: {  	_ = 	snop  }
0x7: {  	_ = 	snop  }
__scs_overlays_trampoline_lowered:
0x8: {  	[smem:$0x3FA4] =	sst s0  }
0x9: {  	[smem:$0x3FA5] =	sst s1  }
0xa: {  	[smem:$0x3FA6] =	sst s2  }
0xb: {  	[smem:$0x3FA7] =	sst s3  }
0xc: {  	[smem:$0x3FA8] =	sst s4  }
0xd: {  	[smem:$0x3FA9] =	sst s5  }
0xe: {  	[smem:$0x3FAA] =	sst s6  }
0xf: {  	[smem:$0x3FAB] =	sst s7  }
0x10: {  	[smem:$0x3FAC] =	sst s8  }
0x11: {  	[smem:$0x3FAD] =	sst s9;
	s0 =	simm.s32 @!p0 $0x0  }
0x12: {  	s1 =	sld [smem:$0x3F93];
	s0 =	simm.s32 @p0 $0x1  }
0x13: {  	[smem:$0x3FAE] =	sst s0;
	s0 =	simm.s32 @!p1 $0x0  }
0x14: {  	s2 =	sld [smem:$0x3F92];
	s0 =	simm.s32 @p1 $0x1  }
0x15: {  	[smem:$0x3FAF] =	sst s0;
	s0 =	simm.s32 @!p2 $0x0  }
0x16: {  	s3 =	sld [smem:$0x3FDB];
	s0 =	simm.s32 @p2 $0x1  }
0x17: {  	s4 =	simm.s32 $0x1BF5;
	[smem:$0x3FB1] =	sst s0  }
0x18: {  	s0 =	sld [smem:$0x3F94];
	_ =	swait.ge [sflag:s4], $0x0  }
0x19: {  	s7 =	sld [smem:$0x3F95]  }
0x1a: {  	s8 =	sadd.s32 $0xFFFFE003, lr  }
0x1b: {  	s9 =	sadd.s32 $0xFFFFFEF7, lr;
	s5 =	simm.s32 $0xFFFFFFFF;
	p2 =	slt.u32 s8, $0xFFFFF086  }
0x1c: {  	p1 =	slt.u32 s9, $0xF7A;
	s5 =	simm.s32 @!p2 $0x0  }
0x1d: {  	s5 =	simm.s32 @p1 $0x1;
	p0 =	seq.s32 s7, s2  }
0x1e: {  	s7 =	smul.u32 @!p0 $0xF7A, s2;
	p2 =	seq.s32 @!p0 s5, $0x0  }
0x1f: {  	s9 =	smul.u32 $0xF7A, s1;
	s8 =	simm.s32 @!p0 $0x1BF5;
	p2 =	por !p2, p0  }
0x20: {  	[sflag:s8] =	ssyncset.s32 @!p0 $0xFFFFF086;
	s6 =	sadd.s32 @!p0 s3, s7;
	s7 =	simm.s32 @!p0 $0x108  }
0x21: {  	s3 =	sadd.s32 s3, s9;
	s6 =	sadd.s32 @!p0 $0x88, s6;
	s7 =	simm.s32 @p2 $0x1082  }
0x22: {  	[simem:s7], [sflag:s8] =	dma.local @!p0 [hbm:s6], $0xF7A  }
0x23: {  	s9 =	sor.u32 $0xD0000000, s2;
	s6 =	simm.s32 $0x108;
	_ =	swait.ge @!p0 [sflag:s8], $0x0  }
0x24: {  	s3 =	sadd.s32 $0x88, s3;
	s6 =	simm.s32 @!p1 $0x1082;
	[sflag:s4] =	ssyncset.s32 $0xFFFFF086  }
0x25: {  	[simem:s6], [sflag:s4] =	dma.local [hbm:s3], $0xF7A  }
0x26: {  	[smem:$0x3F95] =	sst s1;
	(tag) =	ssettag s2;
	_ =	strace s9  }
0x27: {  	s1 =	sld [smem:$0x3FA5]  }
0x28: {  	s2 =	sld [smem:$0x3FA6]  }
0x29: {  	s4 =	sld [smem:$0x3FA8]  }
0x2a: {  	p0 =	seq.s32 s5, $0x0;
	s5 =	sld [smem:$0x3FA9]  }
0x2b: {  	s6 =	sld [smem:$0x3FAA]  }
0x2c: {  	s7 =	sld [smem:$0x3FAB]  }
0x2d: {  	s3 =	simm.s32 $0x108;
	s8 =	sld [smem:$0x3FAC]  }
0x2e: {  	s3 =	simm.s32 @!p0 $0x1082;
	s9 =	sld [smem:$0x3FAD]  }
0x2f: {  	lr =	sadd.s32 s0, s3;
	s0 =	sld [smem:$0x3FA4]  }
0x30: {  	s3 =	sld [smem:$0x3FA7]  }
0x31: {  	[smem:$0x3FB0] =	sst s10  }
0x32: {  	s10 =	sld [smem:$0x3FAE];
	_ =	sdelay $0x3  }
0x33: {  	p0 =	seq.s32 s10, $0x1;
	s10 =	sld [smem:$0x3FB0];
	_ =	sdelay $0x3  }
0x34: {  	[smem:$0x3FB0] =	sst s10  }
0x35: {  	s10 =	sld [smem:$0x3FAF];
	_ =	sdelay $0x3  }
0x36: {  	p1 =	seq.s32 s10, $0x1;
	s10 =	sld [smem:$0x3FB0];
	_ =	sdelay $0x3  }
0x37: {  	[smem:$0x3FB0] =	sst s10  }
0x38: {  	s10 =	sld [smem:$0x3FB1]  }
0x39: {  	_ = 	snop;
	(pc) =	sbr.ind lr, $3  }
0x3a: {  	_ = 	snop  }
0x3b: {  	_ = 	snop  }
0x3c: {  	p2 =	seq.s32 s10, $0x1;
	s10 =	sld [smem:$0x3FB0]  }
0x3d: {  	_ =	shalt  }
0x3e: {  	_ =	shalt  }
0x3f: {  	_ =	shalt  }
0x40: {  	_ =	shalt  }
0x41: {  	_ =	shalt  }
0x42: {  	_ =	shalt  }
0x43: {  	_ =	shalt  }
0x44: {  	_ =	shalt  }
0x45: {  	_ =	shalt  }
0x46: {  	_ =	shalt  }
0x47: {  	_ =	shalt  }
0x48: {  	_ =	shalt  }
0x49: {  	_ =	shalt  }
0x4a: {  	_ =	shalt  }
0x4b: {  	_ =	shalt  }
0x4c: {  	_ =	shalt  }
0x4d: {  	_ =	shalt  }
0x4e: {  	_ =	shalt  }
0x4f: {  	_ =	shalt  }
0x50: {  	_ =	shalt  }
0x51: {  	_ =	shalt  }
0x52: {  	_ =	shalt  }
0x53: {  	_ =	shalt  }
0x54: {  	_ =	shalt  }
0x55: {  	_ =	shalt  }
0x56: {  	_ =	shalt  }
0x57: {  	_ =	shalt  }
0x58: {  	_ =	shalt  }
0x59: {  	_ =	shalt  }
0x5a: {  	_ =	shalt  }
0x5b: {  	_ =	shalt  }
0x5c: {  	_ =	shalt  }
0x5d: {  	_ =	shalt  }
0x5e: {  	_ =	shalt  }
0x5f: {  	_ =	shalt  }
0x60: {  	_ =	shalt  }
0x61: {  	_ =	shalt  }
0x62: {  	_ =	shalt  }
0x63: {  	_ =	shalt  }
0x64: {  	_ =	shalt  }
0x65: {  	_ =	shalt  }
0x66: {  	_ =	shalt  }
0x67: {  	_ =	shalt  }
0x68: {  	_ =	shalt  }
0x69: {  	_ =	shalt  }
0x6a: {  	_ =	shalt  }
0x6b: {  	_ =	shalt  }
0x6c: {  	_ =	shalt  }
0x6d: {  	_ =	shalt  }
0x6e: {  	_ =	shalt  }
0x6f: {  	_ =	shalt  }
0x70: {  	_ =	shalt  }
0x71: {  	_ =	shalt  }
0x72: {  	_ =	shalt  }
0x73: {  	_ =	shalt  }
0x74: {  	_ =	shalt  }
0x75: {  	_ =	shalt  }
0x76: {  	_ =	shalt  }
0x77: {  	_ =	shalt  }
0x78: {  	_ =	shalt  }
0x79: {  	_ =	shalt  }
0x7a: {  	_ =	shalt  }
0x7b: {  	_ =	shalt  }
0x7c: {  	_ =	shalt  }
0x7d: {  	_ =	shalt  }
0x7e: {  	_ =	shalt  }
0x7f: {  	_ =	shalt  }
0x80: {  	_ =	shalt  }
0x81: {  	_ =	shalt  }
0x82: {  	_ =	shalt  }
0x83: {  	_ =	shalt  }
0x84: {  	_ =	shalt  }
0x85: {  	_ =	shalt  }
0x86: {  	_ =	shalt  }
0x87: {  	_ =	shalt  }
.Lfunc_end0:
.L_simem_size_0:
called_computation_lowered:
.L_overlay_start_0:
0x88: {  	s2 =	sld [smem:$0x3FD9]  }
0x89: {  	s3 =	sld [smem:$0x3FFE];
	_ =	sdelay $0x1  }
0x8a: {  	s1 =	srdreg.scid  }
0x8b: {  	s0 =	sand.u32 $0x1, s1  }
0x8c: {  	s17 =	sshll.u32 s0, $0xA;
	s2 =	sadd.s32 s3, s2  }
0x8d: {  	s2 =	sadd.s32 s2, s17  }
0x8e: {  	[smem:$0x3FBC] =	sst s2  }
0x8f: {  	_ = 	snop  }
0x90: {  	s2 =	sld [smem:$0x3FC9]  }
0x91: {  	s18 =	sld [smem:$0x3FD0];
	(tm) =	ssettm $0x1  }
0x92: {  	s4 =	sld [smem:$0x3FFB];
	_ =	sdelay $0x3  }
0x93: {  	_ =	strace s4  }
0x94: {  	s4 =	sld [smem:$0x3FFC];
	_ =	sdelay $0x3  }
0x95: {  	_ =	strace s4  }
0x96: {  	s4 =	sld [smem:$0x3FFD];
	_ =	sdelay $0x3  }
0x97: {  	_ =	strace s4  }
0x98: {  	_ =	strace $0x8FFFFFFF  }
0x99: {  	s19 =	sld [smem:$0x3FDB];
	_ =	sdelay $0x1  }
0x9a: {  	s5 =	simm.s32 $_scs_section_size  }
0x9b: {  	s6 =	simm.s32 $_size__tile_overlayer_lowered;
	s7 =	simm.s32 $_tile_overlayer_lowered  }
0x9c: {  	s22 =	simm.s32 $0x1BFF;
	s21 =	sshll.u32 s7, $0x1;
	s4 =	sadd.s32 s5, s19  }
0x9d: {  	s8 =	simm.s32 $0x0;
	s20 =	sshll.u32 s6, $0x1;
	s6 =	sadd.s32 s21, s4  }
0x9e: {  	[timem:s8], [sflag:s22] =	dma.local [hbm:s6], s20  }
0x9f: {  	_ =	swait.ge [sflag:s22], s20  }
0xa0: {  	s5 =	ssub.s32 $0x0, s20;
	[sflag:s22] =	ssyncset.done $0x0  }
0xa1: {  	[sflag:s22] =	ssyncadd.s32 s5;
	_ =	sdelay $0x1  }
0xa2: {  	s23 =	simm.s32 $0x1B8B  }
0xa3: {  	_ =	swait.ge [sflag:s23], $0x1  }
0xa4: {  	[sflag:s23] =	ssyncset.done $0x0  }
0xa5: {  	s25 =	simm.s32 $0x1B8E;
	s24 =	sld [smem:$0x3FFE];
	[sflag:s23] =	ssyncadd.s32 $0xFFFFFFFF  }
0xa6: {  	s26 =	simm.s32 $execute0_lowered;
	[smem:$0x3FD2] =	sst s25  }
0xa7: {  	s6 =	sshll.u32 s26, $0x1;
	_ =	strace $0x80000046;
	[dreg:$0x1] =	wrdreg $0xFFFFFFFF  }
0xa8: {  	s28 =	simm.s32 $_size_execute0_lowered;
	s4 =	sadd.s32 s4, s6;
	[dreg:$0x0] =	wrdreg $0x0  }
0xa9: {  	s6 =	sshll.u32 s28, $0x1;
	[dreg:$0x2] =	wrdreg s4  }
0xaa: {  	[dreg:$0x3] =	wrdreg s6  }
0xab: {  	[dreg:$0x4] =	wrdreg $0xC0  }
0xac: {  	_ =	task [dreg:s8], $0x5FFFF  }
0xad: {  	[dreg:$0x1] =	wrdreg $0xFFFFFFFF  }
0xae: {  	[dreg:$0x0] =	wrdreg $0x60  }
0xaf: {  	[dreg:$0x2] =	wrdreg s2  }
0xb0: {  	[dreg:$0x3] =	wrdreg s18  }
0xb1: {  	[dreg:$0x4] =	wrdreg s24  }
0xb2: {  	[dreg:$0x5] =	wrdreg $0x9  }
0xb3: {  	_ =	task.clear_ibuf [dreg:s8], $0x6FFFF;
	_ =	strace $0x90000046  }
0xb4: {  	s29 =	simm.s32 $0x9;
	_ =	strace $0x80000048  }
0xb5: {  	_ =	swait.ge [sflag:s29], $0x1  }
0xb6: {  	[sflag:s29] =	ssyncadd.s32 $0xFFFFFFFF  }
0xb7: {  	_ =	strace $0x90000048  }
0xb8: {  	_ =	sfence  }
0xb9: {  	s30 =	sld [smem:$0x0];
	_ =	sdelay $0x2  }
0xba: {  	s31 =	sshll.u32 s1, $0xD;
	s1 =	sshrl.u32 s1, $0x2  }
0xbb: {  	s3 =	sand.u32 $0x4000, s31;
	s1 =	sadd.s32 s1, s30  }
0xbc: {  	s0 =	sor.u32 s3, s0;
	s1 =	sshll.u32 s1, $0x11  }
0xbd: {  	s0 =	sor.u32 s1, s0  }
0xbe: {  	s0 =	sadd.s32 $0x8F2B, s0  }
0xbf: {  	[sflag:s0] =	ssyncadd.remote.s32 $0x1  }
0xc0: {  	_ =	sfence.sel $0xFFFF  }
0xc1: {  	[dreg:$0x0] =	wrdreg $0xFFFFFFFF;
	(pc) =	sbr.abs _section_cstart, $3  }
0xc2: {  	[dreg:$0x1] =	wrdreg $0xFFFFFFFF  }
0xc3: {  	_ =	task.clear_ibuf [dreg:s8], $0x2FFFF;
	_ =	strace $0x9FFFFFFF  }
0xc4: {  	(tm) =	ssettm $0x7FFFFFFF  }
0xc5: {  	_ =	shalt  }
tec
execute0_lowered:
.L_overlay_start_1:
0x0: {  	(tag) =	ssettag $0x1  }
0x1: {  	s3 =	rddreg [dreg:$0x0]  }
0x2: {  	s4 =	rddreg [dreg:$0x1]  }
0x3: {  	s5 =	rddreg [dreg:$0x2];
	s2 =	simm.s32 $0x0  }
0x4: {  	s15 =	simm.s32 $0x100;
	[smem:$0x7FF] =	sst s2  }
0x5: {  	s16 =	simm.s32 $0x180;
	_ =	strace $0x80000047;
	[dreg:$0x5] =	wrdreg s15  }
0x6: {  	s17 =	simm.s32 $0x200;
	[dreg:$0x6] =	wrdreg s16  }
0x7: {  	s18 =	simm.s32 $0x280;
	[dreg:$0x7] =	wrdreg s17  }
0x8: {  	s19 =	simm.s32 $0x300;
	[dreg:$0x8] =	wrdreg s18  }
0x9: {  	s20 =	simm.s32 $0x380;
	[dreg:$0x9] =	wrdreg s19  }
0xa: {  	s22 =	simm.s32 $0x400;
	[dreg:$0xa] =	wrdreg s20  }
0xb: {  	s23 =	simm.s32 $0x480;
	[dreg:$0xb] =	wrdreg s22  }
0xc: {  	s24 =	simm.s32 $0x500;
	[dreg:$0xc] =	wrdreg s23  }
0xd: {  	s25 =	simm.s32 $0x580;
	[dreg:$0xd] =	wrdreg s24  }
0xe: {  	s26 =	simm.s32 $0x600;
	[dreg:$0xe] =	wrdreg s25  }
0xf: {  	s21 =	stileid.u32;
	s8 =	simm.s32 $0x700;
	[dreg:$0xf] =	wrdreg s26  }
0x10: {  	s0 =	srdreg.scid;
	s9 =	simm.s32 $0x780;
	[dreg:$0x11] =	wrdreg s8  }
0x11: {  	s10 =	simm.s32 $0x800;
	s12 =	simm.s32 $0x880;
	[dreg:$0x12] =	wrdreg s9  }
0x12: {  	s13 =	simm.s32 $0x900;
	s14 =	simm.s32 $0x980;
	[dreg:$0x13] =	wrdreg s10  }
0x13: {  	s31 =	simm.s32 $0xB;
	s30 =	simm.s32 $0x1000;
	[dreg:$0x14] =	wrdreg s12  }
0x14: {  	s29 =	simm.s32 $0x1080;
	s28 =	simm.s32 $0x1100;
	[dreg:$0x15] =	wrdreg s13  }
0x15: {  	s1 =	smul.u32 $0x28, s21;
	[dreg:$0x16] =	wrdreg s14;
	s15 =	simm.s32 $0xA00  }
0x16: {  	s0 =	sand.u32 $0x1, s0;
	s16 =	simm.s32 $0xA80;
	[dreg:$0x17] =	wrdreg s15  }
0x17: {  	p0 =	seq.s32 s0, $0x0;
	s17 =	simm.s32 $0xB00;
	[dreg:$0x18] =	wrdreg s16  }
0x18: {  	s0 =	ssub.s32 $0x2, s0;
	s18 =	simm.s32 $0xB80;
	[dreg:$0x19] =	wrdreg s17  }
0x19: {  	s10 =	simm.s32 $0x1400;
	s19 =	simm.s32 $0xC00;
	[dreg:$0x1a] =	wrdreg s18  }
0x1a: {  	s8 =	simm.s32 $0x5400;
	s20 =	simm.s32 $0xC80;
	[dreg:$0x1b] =	wrdreg s19  }
0x1b: {  	s22 =	simm.s32 $0xD00;
	s23 =	simm.s32 $0xD80;
	[dreg:$0x1c] =	wrdreg s20  }
0x1c: {  	s24 =	simm.s32 $0xE00;
	s14 =	simm.s32 $0x2;
	[dreg:$0x1d] =	wrdreg s22  }
0x1d: {  	s25 =	simm.s32 $0xE80;
	s13 =	simm.s32 $0x3;
	[dreg:$0x1e] =	wrdreg s23  }
0x1e: {  	s26 =	simm.s32 $0xF00;
	s12 =	simm.s32 $0x4;
	[dreg:$0x1f] =	wrdreg s24  }
0x1f: {  	s9 =	simm.s32 $0x5;
	s6 =	sadd.s32 $0x280, s1;
	[smem:$0x7FC] =	sst s25  }
0x20: {  	s11 =	sshrl.u32 s0, $0x1;
	s16 =	simm.s32 $0x1;
	[smem:$0x7FD] =	sst s26  }
0x21: {  	s26 =	simm.s32 $0x1180;
	s25 =	simm.s32 $0x1200;
	s24 =	simm.s32 $0x1280  }
0x22: {  	s22 =	simm.s32 $0x1300;
	s23 =	simm.s32 $0x1380;
	s20 =	simm.s32 $0x6  }
0x23: {  	s19 =	simm.s32 $0x7;
	s18 =	simm.s32 $0x8;
	s0 =	ssub.s32 s0, s11  }
0x24: {  	s17 =	simm.s32 $0x9;
	s6 =	smov.u32 @p0 s1;
	s0 =	smax.u32 s0, $0x1  }
0x25: {  	s15 =	simm.s32 $0xA;
	s1 =	sshll.u32 s6, $0x4;
	p1 =	sne.s32 s0, $0x1  }
.Ltmp0:
0x26: {  	s11 =	simm.s32 $0x80;
	s1 =	sadd.s32 s4, s1;
	(pc) =	sbr.rel @!p1 .LBB2_1-.Ltmp0, $4  }
0x27: {  	p0 =	por $0x0, $0x0;
	s4 =	simm.s32 $0x680;
	[dreg:$0x4] =	wrdreg s1  }
0x28: {  	s7 =	sshll.u32 s6, $0xB;
	s6 =	simm.s32 $0xD400;
	[dreg:$0x10] =	wrdreg s4  }
0x29: {  	s4 =	sadd.s32 s7, s5;
	s7 =	simm.s32 $0x9400;
	s5 =	simm.s32 $0x11400  }
0x2a: {  	s1 =	sadd.s32 $0xFFFFFFFF, s0;
	s4 =	sadd.s32 $0x1600, s4;
	s0 =	rddreg [dreg:$0x4]  }
0x2b: {  	[tilespmem:s2], [sflag:$0xB] =	stream.linear.gather [hbm4b:s0+s2], $0x1400, $0x38;
	[tilespmem:$0x15400] =	vst v63  }
0x2c: {  	_ =	swait.ge [sflag:s31], $0x1400  }
0x2d: {  	[sflag:s31] =	ssyncset.done $0x0  }
0x2e: {  	[sflag:s31] =	ssyncadd.s32 $0xFFFFEC00  }
0x2f: {  	[tilespmem:s10], [sflag:$0x1] =	stream.indirect.gather [hbm4b:s3+s11], $0x80, s2, s11, $0xb8;
	[tilespmem:$0x15400] =	vst v63  }
0x30: {  	_ = 	snop  }
0x31: {  	[tilespmem:s8], [sflag:$0x2] =	stream.indirect.gather [hbm4b:s3+s11], $0x80, s11, s11, $0xb8;
	[tilespmem:$0x15400] =	vst v63  }
0x32: {  	s0 =	rddreg [dreg:$0x5]  }
0x33: {  	[tilespmem:s7], [sflag:$0x3] =	stream.indirect.gather [hbm4b:s3+s11], $0x80, s0, s11, $0xb8;
	[tilespmem:$0x15400] =	vst v63  }
0x34: {  	s21 =	smov.u32 s1;
	s1 =	rddreg [dreg:$0x6]  }
0x35: {  	[tilespmem:s6], [sflag:$0x4] =	stream.indirect.gather [hbm4b:s3+s11], $0x80, s1, s11, $0xb8;
	[tilespmem:$0x15400] =	vst v63  }
0x36: {  	s0 =	rddreg [dreg:$0x7]  }
0x37: {  	[tilespmem:s5], [sflag:$0x5] =	stream.indirect.gather [hbm4b:s3+s11], $0x80, s0, s11, $0xb8;
	[tilespmem:$0x15400] =	vst v63  }
0x38: {  	_ =	swait.ge [sflag:s16], $0x4000  }
0x39: {  	[sflag:s16] =	ssyncset.done $0x0  }
0x3a: {  	s1 =	rddreg [dreg:$0x8];
	[sflag:s16] =	ssyncadd.s32 $0xFFFFC000  }
0x3b: {  	[tilespmem:s10], [sflag:$0x1] =	stream.indirect.gather [hbm4b:s3+s11], $0x80, s1, s11, $0xb8;
	[tilespmem:$0x15400] =	vst v63  }
0x3c: {  	_ =	swait.ge [sflag:s14], $0x4000  }
0x3d: {  	[sflag:s14] =	ssyncset.done $0x0  }
0x3e: {  	s1 =	rddreg [dreg:$0x9];
	[sflag:s14] =	ssyncadd.s32 $0xFFFFC000  }
0x3f: {  	[tilespmem:s8], [sflag:$0x2] =	stream.indirect.gather [hbm4b:s3+s11], $0x80, s1, s11, $0xb8;
	[tilespmem:$0x15400] =	vst v63  }
0x40: {  	_ =	swait.ge [sflag:s13], $0x4000  }
0x41: {  	[sflag:s13] =	ssyncset.done $0x0  }
0x42: {  	s1 =	rddreg [dreg:$0xa];
	[sflag:s13] =	ssyncadd.s32 $0xFFFFC000  }
0x43: {  	[tilespmem:s7], [sflag:$0x3] =	stream.indirect.gather [hbm4b:s3+s11], $0x80, s1, s11, $0xb8;
	[tilespmem:$0x15400] =	vst v63  }
0x44: {  	_ =	swait.ge [sflag:s12], $0x4000  }
0x45: {  	[sflag:s12] =	ssyncset.done $0x0  }
0x46: {  	s1 =	rddreg [dreg:$0xb];
	[sflag:s12] =	ssyncadd.s32 $0xFFFFC000  }
0x47: {  	[tilespmem:s6], [sflag:$0x4] =	stream.indirect.gather [hbm4b:s3+s11], $0x80, s1, s11, $0xb8;
	[tilespmem:$0x15400] =	vst v63  }
0x48: {  	_ =	swait.ge [sflag:s9], $0x4000  }
0x49: {  	[sflag:s9] =	ssyncset.done $0x0  }
0x4a: {  	s1 =	rddreg [dreg:$0xc];
	[sflag:s9] =	ssyncadd.s32 $0xFFFFC000  }
0x4b: {  	[tilespmem:s5], [sflag:$0x5] =	stream.indirect.gather [hbm4b:s3+s11], $0x80, s1, s11, $0xb8;
	[tilespmem:$0x15400] =	vst v63  }
0x4c: {  	_ =	swait.ge [sflag:s16], $0x4000  }
0x4d: {  	[sflag:s16] =	ssyncset.done $0x0  }
0x4e: {  	s1 =	rddreg [dreg:$0xd];
	[sflag:s16] =	ssyncadd.s32 $0xFFFFC000  }
0x4f: {  	[tilespmem:s10], [sflag:$0x1] =	stream.indirect.gather [hbm4b:s3+s11], $0x80, s1, s11, $0xb8;
	[tilespmem:$0x15400] =	vst v63  }
0x50: {  	_ =	swait.ge [sflag:s14], $0x4000  }
0x51: {  	[sflag:s14] =	ssyncset.done $0x0  }
0x52: {  	s1 =	rddreg [dreg:$0xe];
	[sflag:s14] =	ssyncadd.s32 $0xFFFFC000  }
0x53: {  	[tilespmem:s8], [sflag:$0x2] =	stream.indirect.gather [hbm4b:s3+s11], $0x80, s1, s11, $0xb8;
	[tilespmem:$0x15400] =	vst v63  }
0x54: {  	_ =	swait.ge [sflag:s13], $0x4000  }
0x55: {  	[sflag:s13] =	ssyncset.done $0x0  }
0x56: {  	s1 =	rddreg [dreg:$0xf];
	[sflag:s13] =	ssyncadd.s32 $0xFFFFC000  }
0x57: {  	[tilespmem:s7], [sflag:$0x3] =	stream.indirect.gather [hbm4b:s3+s11], $0x80, s1, s11, $0xb8;
	[tilespmem:$0x15400] =	vst v63  }
0x58: {  	_ =	swait.ge [sflag:s12], $0x4000  }
0x59: {  	[sflag:s12] =	ssyncset.done $0x0  }
0x5a: {  	s1 =	rddreg [dreg:$0x10];
	[sflag:s12] =	ssyncadd.s32 $0xFFFFC000  }
0x5b: {  	[tilespmem:s6], [sflag:$0x4] =	stream.indirect.gather [hbm4b:s3+s11], $0x80, s1, s11, $0xb8;
	[tilespmem:$0x15400] =	vst v63  }
0x5c: {  	_ =	swait.ge [sflag:s9], $0x4000  }
0x5d: {  	[sflag:s9] =	ssyncset.done $0x0  }
0x5e: {  	s1 =	rddreg [dreg:$0x11];
	[sflag:s9] =	ssyncadd.s32 $0xFFFFC000  }
0x5f: {  	[tilespmem:s5], [sflag:$0x5] =	stream.indirect.gather [hbm4b:s3+s11], $0x80, s1, s11, $0xb8;
	[tilespmem:$0x15400] =	vst v63  }
0x60: {  	_ =	swait.ge [sflag:s16], $0x4000  }
0x61: {  	[sflag:s16] =	ssyncset.done $0x0  }
0x62: {  	s1 =	rddreg [dreg:$0x12];
	[sflag:s16] =	ssyncadd.s32 $0xFFFFC000  }
0x63: {  	[tilespmem:s10], [sflag:$0x1] =	stream.indirect.gather [hbm4b:s3+s11], $0x80, s1, s11, $0xb8;
	[tilespmem:$0x15400] =	vst v63  }
0x64: {  	_ =	swait.ge [sflag:s14], $0x4000  }
0x65: {  	[sflag:s14] =	ssyncset.done $0x0  }
0x66: {  	s1 =	rddreg [dreg:$0x13];
	[sflag:s14] =	ssyncadd.s32 $0xFFFFC000  }
0x67: {  	[tilespmem:s8], [sflag:$0x2] =	stream.indirect.gather [hbm4b:s3+s11], $0x80, s1, s11, $0xb8;
	[tilespmem:$0x15400] =	vst v63  }
0x68: {  	_ =	swait.ge [sflag:s13], $0x4000  }
0x69: {  	[sflag:s13] =	ssyncset.done $0x0  }
0x6a: {  	s1 =	rddreg [dreg:$0x14];
	[sflag:s13] =	ssyncadd.s32 $0xFFFFC000  }
0x6b: {  	[tilespmem:s7], [sflag:$0x3] =	stream.indirect.gather [hbm4b:s3+s11], $0x80, s1, s11, $0xb8;
	[tilespmem:$0x15400] =	vst v63  }
0x6c: {  	_ =	swait.ge [sflag:s12], $0x4000  }
0x6d: {  	[sflag:s12] =	ssyncset.done $0x0  }
0x6e: {  	s1 =	rddreg [dreg:$0x15];
	[sflag:s12] =	ssyncadd.s32 $0xFFFFC000  }
0x6f: {  	[tilespmem:s6], [sflag:$0x4] =	stream.indirect.gather [hbm4b:s3+s11], $0x80, s1, s11, $0xb8;
	[tilespmem:$0x15400] =	vst v63  }
0x70: {  	_ =	swait.ge [sflag:s9], $0x4000  }
0x71: {  	[sflag:s9] =	ssyncset.done $0x0  }
0x72: {  	s1 =	rddreg [dreg:$0x16];
	[sflag:s9] =	ssyncadd.s32 $0xFFFFC000  }
0x73: {  	[tilespmem:s5], [sflag:$0x5] =	stream.indirect.gather [hbm4b:s3+s11], $0x80, s1, s11, $0xb8;
	[tilespmem:$0x15400] =	vst v63  }
0x74: {  	_ =	swait.ge [sflag:s16], $0x4000  }
0x75: {  	[sflag:s16] =	ssyncset.done $0x0  }
0x76: {  	s1 =	rddreg [dreg:$0x17];
	[sflag:s16] =	ssyncadd.s32 $0xFFFFC000  }
0x77: {  	[tilespmem:s10], [sflag:$0x1] =	stream.indirect.gather [hbm4b:s3+s11], $0x80, s1, s11, $0xb8;
	[tilespmem:$0x15400] =	vst v63  }
0x78: {  	_ =	swait.ge [sflag:s14], $0x4000  }
0x79: {  	[sflag:s14] =	ssyncset.done $0x0  }
0x7a: {  	s1 =	rddreg [dreg:$0x18];
	[sflag:s14] =	ssyncadd.s32 $0xFFFFC000  }
0x7b: {  	[tilespmem:s8], [sflag:$0x2] =	stream.indirect.gather [hbm4b:s3+s11], $0x80, s1, s11, $0xb8;
	[tilespmem:$0x15400] =	vst v63  }
0x7c: {  	_ =	swait.ge [sflag:s13], $0x4000  }
0x7d: {  	[sflag:s13] =	ssyncset.done $0x0  }
0x7e: {  	s1 =	rddreg [dreg:$0x19];
	[sflag:s13] =	ssyncadd.s32 $0xFFFFC000  }
0x7f: {  	[tilespmem:s7], [sflag:$0x3] =	stream.indirect.gather [hbm4b:s3+s11], $0x80, s1, s11, $0xb8;
	[tilespmem:$0x15400] =	vst v63  }
0x80: {  	_ =	swait.ge [sflag:s12], $0x4000  }
0x81: {  	[sflag:s12] =	ssyncset.done $0x0  }
0x82: {  	s1 =	rddreg [dreg:$0x1a];
	[sflag:s12] =	ssyncadd.s32 $0xFFFFC000  }
0x83: {  	[tilespmem:s6], [sflag:$0x4] =	stream.indirect.gather [hbm4b:s3+s11], $0x80, s1, s11, $0xb8;
	[tilespmem:$0x15400] =	vst v63  }
0x84: {  	_ =	swait.ge [sflag:s9], $0x4000  }
0x85: {  	[sflag:s9] =	ssyncset.done $0x0  }
0x86: {  	s1 =	rddreg [dreg:$0x1b];
	[sflag:s9] =	ssyncadd.s32 $0xFFFFC000  }
0x87: {  	[tilespmem:s5], [sflag:$0x5] =	stream.indirect.gather [hbm4b:s3+s11], $0x80, s1, s11, $0xb8;
	[tilespmem:$0x15400] =	vst v63  }
0x88: {  	_ =	swait.ge [sflag:s16], $0x4000  }
0x89: {  	[sflag:s16] =	ssyncset.done $0x0  }
0x8a: {  	s1 =	rddreg [dreg:$0x1c];
	[sflag:s16] =	ssyncadd.s32 $0xFFFFC000  }
0x8b: {  	[tilespmem:s10], [sflag:$0x1] =	stream.indirect.gather [hbm4b:s3+s11], $0x80, s1, s11, $0xb8;
	[tilespmem:$0x15400] =	vst v63  }
0x8c: {  	_ =	swait.ge [sflag:s14], $0x4000  }
0x8d: {  	[sflag:s14] =	ssyncset.done $0x0  }
0x8e: {  	s1 =	rddreg [dreg:$0x1d];
	[sflag:s14] =	ssyncadd.s32 $0xFFFFC000  }
0x8f: {  	[tilespmem:s8], [sflag:$0x2] =	stream.indirect.gather [hbm4b:s3+s11], $0x80, s1, s11, $0xb8;
	[tilespmem:$0x15400] =	vst v63  }
0x90: {  	_ =	swait.ge [sflag:s13], $0x4000  }
0x91: {  	[sflag:s13] =	ssyncset.done $0x0  }
0x92: {  	s1 =	rddreg [dreg:$0x1e];
	[sflag:s13] =	ssyncadd.s32 $0xFFFFC000  }
0x93: {  	[tilespmem:s7], [sflag:$0x3] =	stream.indirect.gather [hbm4b:s3+s11], $0x80, s1, s11, $0xb8;
	[tilespmem:$0x15400] =	vst v63  }
0x94: {  	_ =	swait.ge [sflag:s12], $0x4000  }
0x95: {  	[sflag:s12] =	ssyncset.done $0x0  }
0x96: {  	s1 =	rddreg [dreg:$0x1f];
	[sflag:s12] =	ssyncadd.s32 $0xFFFFC000  }
0x97: {  	[tilespmem:s6], [sflag:$0x4] =	stream.indirect.gather [hbm4b:s3+s11], $0x80, s1, s11, $0xb8;
	[tilespmem:$0x15400] =	vst v63  }
0x98: {  	_ =	swait.ge [sflag:s9], $0x4000  }
0x99: {  	s1 =	sld [smem:$0x7FC]  }
0x9a: {  	[sflag:s9] =	ssyncset.done $0x0  }
0x9b: {  	[sflag:s9] =	ssyncadd.s32 $0xFFFFC000  }
0x9c: {  	[tilespmem:s5], [sflag:$0x5] =	stream.indirect.gather [hbm4b:s3+s11], $0x80, s1, s11, $0xb8;
	[tilespmem:$0x15400] =	vst v63  }
0x9d: {  	_ =	swait.ge [sflag:s16], $0x4000  }
0x9e: {  	s1 =	sld [smem:$0x7FD]  }
0x9f: {  	[sflag:s16] =	ssyncset.done $0x0  }
0xa0: {  	[sflag:s16] =	ssyncadd.s32 $0xFFFFC000  }
0xa1: {  	[tilespmem:s10], [sflag:$0x1] =	stream.indirect.gather [hbm4b:s3+s11], $0x80, s1, s11, $0xb8;
	[tilespmem:$0x15400] =	vst v63  }
0xa2: {  	_ =	swait.ge [sflag:s14], $0x4000  }
0xa3: {  	[sflag:s14] =	ssyncset.done $0x0  }
0xa4: {  	s1 =	simm.s32 $0xF80;
	[sflag:s14] =	ssyncadd.s32 $0xFFFFC000  }
0xa5: {  	[tilespmem:s8], [sflag:$0x2] =	stream.indirect.gather [hbm4b:s3+s11], $0x80, s1, s11, $0xb8;
	[tilespmem:$0x15400] =	vst v63  }
0xa6: {  	_ =	swait.ge [sflag:s13], $0x4000  }
0xa7: {  	[sflag:s13] =	ssyncset.done $0x0  }
0xa8: {  	[sflag:s13] =	ssyncadd.s32 $0xFFFFC000  }
0xa9: {  	[tilespmem:s7], [sflag:$0x3] =	stream.indirect.gather [hbm4b:s3+s11], $0x80, s30, s11, $0xb8;
	[tilespmem:$0x15400] =	vst v63  }
0xaa: {  	_ =	swait.ge [sflag:s12], $0x4000  }
0xab: {  	[sflag:s12] =	ssyncset.done $0x0  }
0xac: {  	[sflag:s12] =	ssyncadd.s32 $0xFFFFC000  }
0xad: {  	[tilespmem:s6], [sflag:$0x4] =	stream.indirect.gather [hbm4b:s3+s11], $0x80, s29, s11, $0xb8;
	[tilespmem:$0x15400] =	vst v63  }
0xae: {  	_ =	swait.ge [sflag:s9], $0x4000  }
0xaf: {  	[sflag:s9] =	ssyncset.done $0x0  }
0xb0: {  	[sflag:s9] =	ssyncadd.s32 $0xFFFFC000  }
0xb1: {  	[tilespmem:s5], [sflag:$0x5] =	stream.indirect.gather [hbm4b:s3+s11], $0x80, s28, s11, $0xb8;
	[tilespmem:$0x15400] =	vst v63  }
0xb2: {  	_ =	swait.ge [sflag:s16], $0x4000  }
0xb3: {  	[sflag:s16] =	ssyncset.done $0x0  }
0xb4: {  	[sflag:s16] =	ssyncadd.s32 $0xFFFFC000  }
0xb5: {  	[tilespmem:s10], [sflag:$0x1] =	stream.indirect.gather [hbm4b:s3+s11], $0x80, s26, s11, $0xb8;
	[tilespmem:$0x15400] =	vst v63  }
0xb6: {  	_ =	swait.ge [sflag:s14], $0x4000  }
0xb7: {  	[sflag:s14] =	ssyncset.done $0x0  }
0xb8: {  	[sflag:s14] =	ssyncadd.s32 $0xFFFFC000  }
0xb9: {  	[tilespmem:s8], [sflag:$0x2] =	stream.indirect.gather [hbm4b:s3+s11], $0x80, s25, s11, $0xb8;
	[tilespmem:$0x15400] =	vst v63  }
0xba: {  	_ =	swait.ge [sflag:s13], $0x4000  }
0xbb: {  	[sflag:s13] =	ssyncset.done $0x0  }
0xbc: {  	[sflag:s13] =	ssyncadd.s32 $0xFFFFC000  }
0xbd: {  	[tilespmem:s7], [sflag:$0x3] =	stream.indirect.gather [hbm4b:s3+s11], $0x80, s24, s11, $0xb8;
	[tilespmem:$0x15400] =	vst v63  }
0xbe: {  	_ =	swait.ge [sflag:s12], $0x4000  }
0xbf: {  	[sflag:s12] =	ssyncset.done $0x0  }
0xc0: {  	[sflag:s12] =	ssyncadd.s32 $0xFFFFC000  }
0xc1: {  	[tilespmem:s6], [sflag:$0x4] =	stream.indirect.gather [hbm4b:s3+s11], $0x80, s22, s11, $0xb8;
	[tilespmem:$0x15400] =	vst v63  }
0xc2: {  	_ =	swait.ge [sflag:s9], $0x4000  }
0xc3: {  	[sflag:s9] =	ssyncset.done $0x0  }
0xc4: {  	[sflag:s9] =	ssyncadd.s32 $0xFFFFC000  }
0xc5: {  	[tilespmem:s5], [sflag:$0x5] =	stream.indirect.gather [hbm4b:s3+s11], $0x80, s23, s11, $0xb8;
	[tilespmem:$0x15400] =	vst v63  }
0xc6: {  	_ =	swait.ge [sflag:s16], $0x4000  }
0xc7: {  	[sflag:s16] =	ssyncset.done $0x0  }
0xc8: {  	[sflag:s16] =	ssyncadd.s32 $0xFFFFC000  }
0xc9: {  	[hbm4b:s4+s2] =	stream.linear.scatter [tilespmem:s10], [sflag:$0x6], $0x4000, $0x38;
	[tilespmem:$0x15400] =	vst v63  }
0xca: {  	_ =	swait.ge [sflag:s20], $0x4000  }
0xcb: {  	[sflag:s20] =	ssyncset.done $0x0  }
0xcc: {  	[sflag:s20] =	ssyncadd.s32 $0xFFFFC000  }
0xcd: {  	_ =	swait.ge [sflag:s14], $0x4000  }
0xce: {  	[sflag:s14] =	ssyncset.done $0x0  }
0xcf: {  	[sflag:s14] =	ssyncadd.s32 $0xFFFFC000  }
0xd0: {  	[hbm4b:s4+s2] =	stream.linear.scatter [tilespmem:s8], [sflag:$0x7], $0x4000, $0x38;
	[tilespmem:$0x15400] =	vst v63  }
0xd1: {  	_ =	swait.ge [sflag:s19], $0x4000  }
0xd2: {  	[sflag:s19] =	ssyncset.done $0x0  }
0xd3: {  	[sflag:s19] =	ssyncadd.s32 $0xFFFFC000  }
0xd4: {  	_ =	swait.ge [sflag:s13], $0x4000  }
0xd5: {  	[sflag:s13] =	ssyncset.done $0x0  }
0xd6: {  	[sflag:s13] =	ssyncadd.s32 $0xFFFFC000  }
0xd7: {  	[hbm4b:s4+s2] =	stream.linear.scatter [tilespmem:s7], [sflag:$0x8], $0x4000, $0x38;
	[tilespmem:$0x15400] =	vst v63  }
0xd8: {  	_ =	swait.ge [sflag:s18], $0x4000  }
0xd9: {  	[sflag:s18] =	ssyncset.done $0x0  }
0xda: {  	[sflag:s18] =	ssyncadd.s32 $0xFFFFC000  }
0xdb: {  	_ =	swait.ge [sflag:s12], $0x4000  }
0xdc: {  	[sflag:s12] =	ssyncset.done $0x0  }
0xdd: {  	[sflag:s12] =	ssyncadd.s32 $0xFFFFC000  }
0xde: {  	[hbm4b:s4+s2] =	stream.linear.scatter [tilespmem:s6], [sflag:$0x9], $0x4000, $0x38;
	[tilespmem:$0x15400] =	vst v63  }
0xdf: {  	_ =	swait.ge [sflag:s17], $0x4000  }
0xe0: {  	[sflag:s17] =	ssyncset.done $0x0  }
0xe1: {  	[sflag:s17] =	ssyncadd.s32 $0xFFFFC000  }
0xe2: {  	p1 =	sne.s32 s21, $0x1;
	_ =	swait.ge [sflag:s9], $0x4000  }
.Ltmp1:
0xe3: {  	[sflag:s9] =	ssyncset.done $0x0;
	(pc) =	sbr.rel @!p1 .LBB2_3-.Ltmp1, $4  }
0xe4: {  	[sflag:s9] =	ssyncadd.s32 $0xFFFFC000  }
0xe5: {  	[hbm4b:s4+s2] =	stream.linear.scatter [tilespmem:s5], [sflag:$0xA], $0x4000, $0x38;
	[tilespmem:$0x15400] =	vst v63  }
0xe6: {  	p0 =	por $0x1, $0x1;
	_ =	swait.ge [sflag:s15], $0x4000  }
0xe7: {  	s1 =	sadd.s32 $0xFFFFFFFF, s21;
	s0 =	rddreg [dreg:$0x4];
	[sflag:s15] =	ssyncset.done $0x0  }
.LBB2_4:
0xe8: {  	[sflag:s15] =	ssyncadd.s32 $0xFFFFC000  }
0xe9: {  	[tilespmem:s2], [sflag:$0xB] =	stream.linear.gather [hbm4b:s0+s2], $0x1400, $0x38;
	[tilespmem:$0x15400] =	vst v63  }
0xea: {  	_ =	swait.ge [sflag:s31], $0x1400  }
0xeb: {  	[sflag:s31] =	ssyncset.done $0x0  }
0xec: {  	[sflag:s31] =	ssyncadd.s32 $0xFFFFEC00  }
0xed: {  	[tilespmem:s10], [sflag:$0x1] =	stream.indirect.gather [hbm4b:s3+s11], $0x80, s2, s11, $0xb8;
	[tilespmem:$0x15400] =	vst v63  }
0xee: {  	_ = 	snop  }
0xef: {  	[tilespmem:s8], [sflag:$0x2] =	stream.indirect.gather [hbm4b:s3+s11], $0x80, s11, s11, $0xb8;
	[tilespmem:$0x15400] =	vst v63  }
0xf0: {  	s0 =	rddreg [dreg:$0x5]  }
0xf1: {  	[tilespmem:s7], [sflag:$0x3] =	stream.indirect.gather [hbm4b:s3+s11], $0x80, s0, s11, $0xb8;
	[tilespmem:$0x15400] =	vst v63  }
0xf2: {  	s21 =	rddreg [dreg:$0x6]  }
0xf3: {  	[tilespmem:s6], [sflag:$0x4] =	stream.indirect.gather [hbm4b:s3+s11], $0x80, s21, s11, $0xb8;
	[tilespmem:$0x15400] =	vst v63  }
0xf4: {  	s0 =	rddreg [dreg:$0x7]  }
0xf5: {  	[tilespmem:s5], [sflag:$0x5] =	stream.indirect.gather [hbm4b:s3+s11], $0x80, s0, s11, $0xb8;
	[tilespmem:$0x15400] =	vst v63  }
0xf6: {  	_ =	swait.ge [sflag:s16], $0x4000  }
0xf7: {  	[sflag:s16] =	ssyncset.done $0x0  }
0xf8: {  	s21 =	rddreg [dreg:$0x8];
	[sflag:s16] =	ssyncadd.s32 $0xFFFFC000  }
0xf9: {  	[tilespmem:s10], [sflag:$0x1] =	stream.indirect.gather [hbm4b:s3+s11], $0x80, s21, s11, $0xb8;
	[tilespmem:$0x15400] =	vst v63  }
0xfa: {  	_ =	swait.ge [sflag:s14], $0x4000  }
0xfb: {  	[sflag:s14] =	ssyncset.done $0x0  }
0xfc: {  	s21 =	rddreg [dreg:$0x9];
	[sflag:s14] =	ssyncadd.s32 $0xFFFFC000  }
0xfd: {  	[tilespmem:s8], [sflag:$0x2] =	stream.indirect.gather [hbm4b:s3+s11], $0x80, s21, s11, $0xb8;
	[tilespmem:$0x15400] =	vst v63  }
0xfe: {  	_ =	swait.ge [sflag:s13], $0x4000  }
0xff: {  	[sflag:s13] =	ssyncset.done $0x0  }
0x100: {  	s21 =	rddreg [dreg:$0xa];
	[sflag:s13] =	ssyncadd.s32 $0xFFFFC000  }
0x101: {  	[tilespmem:s7], [sflag:$0x3] =	stream.indirect.gather [hbm4b:s3+s11], $0x80, s21, s11, $0xb8;
	[tilespmem:$0x15400] =	vst v63  }
0x102: {  	_ =	swait.ge [sflag:s12], $0x4000  }
0x103: {  	[sflag:s12] =	ssyncset.done $0x0  }
0x104: {  	s21 =	rddreg [dreg:$0xb];
	[sflag:s12] =	ssyncadd.s32 $0xFFFFC000  }
0x105: {  	[tilespmem:s6], [sflag:$0x4] =	stream.indirect.gather [hbm4b:s3+s11], $0x80, s21, s11, $0xb8;
	[tilespmem:$0x15400] =	vst v63  }
0x106: {  	_ =	swait.ge [sflag:s9], $0x4000  }
0x107: {  	[sflag:s9] =	ssyncset.done $0x0  }
0x108: {  	s21 =	rddreg [dreg:$0xc];
	[sflag:s9] =	ssyncadd.s32 $0xFFFFC000  }
0x109: {  	[tilespmem:s5], [sflag:$0x5] =	stream.indirect.gather [hbm4b:s3+s11], $0x80, s21, s11, $0xb8;
	[tilespmem:$0x15400] =	vst v63  }
0x10a: {  	_ =	swait.ge [sflag:s16], $0x4000  }
0x10b: {  	[sflag:s16] =	ssyncset.done $0x0  }
0x10c: {  	s21 =	rddreg [dreg:$0xd];
	[sflag:s16] =	ssyncadd.s32 $0xFFFFC000  }
0x10d: {  	[tilespmem:s10], [sflag:$0x1] =	stream.indirect.gather [hbm4b:s3+s11], $0x80, s21, s11, $0xb8;
	[tilespmem:$0x15400] =	vst v63  }
0x10e: {  	_ =	swait.ge [sflag:s14], $0x4000  }
0x10f: {  	[sflag:s14] =	ssyncset.done $0x0  }
0x110: {  	s21 =	rddreg [dreg:$0xe];
	[sflag:s14] =	ssyncadd.s32 $0xFFFFC000  }
0x111: {  	[tilespmem:s8], [sflag:$0x2] =	stream.indirect.gather [hbm4b:s3+s11], $0x80, s21, s11, $0xb8;
	[tilespmem:$0x15400] =	vst v63  }
0x112: {  	_ =	swait.ge [sflag:s13], $0x4000  }
0x113: {  	[sflag:s13] =	ssyncset.done $0x0  }
0x114: {  	s21 =	rddreg [dreg:$0xf];
	[sflag:s13] =	ssyncadd.s32 $0xFFFFC000  }
0x115: {  	[tilespmem:s7], [sflag:$0x3] =	stream.indirect.gather [hbm4b:s3+s11], $0x80, s21, s11, $0xb8;
	[tilespmem:$0x15400] =	vst v63  }
0x116: {  	_ =	swait.ge [sflag:s12], $0x4000  }
0x117: {  	[sflag:s12] =	ssyncset.done $0x0  }
0x118: {  	s21 =	rddreg [dreg:$0x10];
	[sflag:s12] =	ssyncadd.s32 $0xFFFFC000  }
0x119: {  	[tilespmem:s6], [sflag:$0x4] =	stream.indirect.gather [hbm4b:s3+s11], $0x80, s21, s11, $0xb8;
	[tilespmem:$0x15400] =	vst v63  }
0x11a: {  	_ =	swait.ge [sflag:s9], $0x4000  }
0x11b: {  	[sflag:s9] =	ssyncset.done $0x0  }
0x11c: {  	s21 =	rddreg [dreg:$0x11];
	[sflag:s9] =	ssyncadd.s32 $0xFFFFC000  }
0x11d: {  	[tilespmem:s5], [sflag:$0x5] =	stream.indirect.gather [hbm4b:s3+s11], $0x80, s21, s11, $0xb8;
	[tilespmem:$0x15400] =	vst v63  }
0x11e: {  	_ =	swait.ge [sflag:s16], $0x4000  }
0x11f: {  	[sflag:s16] =	ssyncset.done $0x0  }
0x120: {  	s21 =	rddreg [dreg:$0x12];
	[sflag:s16] =	ssyncadd.s32 $0xFFFFC000  }
0x121: {  	[tilespmem:s10], [sflag:$0x1] =	stream.indirect.gather [hbm4b:s3+s11], $0x80, s21, s11, $0xb8;
	[tilespmem:$0x15400] =	vst v63  }
0x122: {  	_ =	swait.ge [sflag:s14], $0x4000  }
0x123: {  	[sflag:s14] =	ssyncset.done $0x0  }
0x124: {  	s21 =	rddreg [dreg:$0x13];
	[sflag:s14] =	ssyncadd.s32 $0xFFFFC000  }
0x125: {  	[tilespmem:s8], [sflag:$0x2] =	stream.indirect.gather [hbm4b:s3+s11], $0x80, s21, s11, $0xb8;
	[tilespmem:$0x15400] =	vst v63  }
0x126: {  	_ =	swait.ge [sflag:s13], $0x4000  }
0x127: {  	[sflag:s13] =	ssyncset.done $0x0  }
0x128: {  	s21 =	rddreg [dreg:$0x14];
	[sflag:s13] =	ssyncadd.s32 $0xFFFFC000  }
0x129: {  	[tilespmem:s7], [sflag:$0x3] =	stream.indirect.gather [hbm4b:s3+s11], $0x80, s21, s11, $0xb8;
	[tilespmem:$0x15400] =	vst v63  }
0x12a: {  	_ =	swait.ge [sflag:s12], $0x4000  }
0x12b: {  	[sflag:s12] =	ssyncset.done $0x0  }
0x12c: {  	s21 =	rddreg [dreg:$0x15];
	[sflag:s12] =	ssyncadd.s32 $0xFFFFC000  }
0x12d: {  	[tilespmem:s6], [sflag:$0x4] =	stream.indirect.gather [hbm4b:s3+s11], $0x80, s21, s11, $0xb8;
	[tilespmem:$0x15400] =	vst v63  }
0x12e: {  	_ =	swait.ge [sflag:s9], $0x4000  }
0x12f: {  	[sflag:s9] =	ssyncset.done $0x0  }
0x130: {  	s21 =	rddreg [dreg:$0x16];
	[sflag:s9] =	ssyncadd.s32 $0xFFFFC000  }
0x131: {  	[tilespmem:s5], [sflag:$0x5] =	stream.indirect.gather [hbm4b:s3+s11], $0x80, s21, s11, $0xb8;
	[tilespmem:$0x15400] =	vst v63  }
0x132: {  	_ =	swait.ge [sflag:s16], $0x4000  }
0x133: {  	[sflag:s16] =	ssyncset.done $0x0  }
0x134: {  	s21 =	rddreg [dreg:$0x17];
	[sflag:s16] =	ssyncadd.s32 $0xFFFFC000  }
0x135: {  	[tilespmem:s10], [sflag:$0x1] =	stream.indirect.gather [hbm4b:s3+s11], $0x80, s21, s11, $0xb8;
	[tilespmem:$0x15400] =	vst v63  }
0x136: {  	_ =	swait.ge [sflag:s14], $0x4000  }
0x137: {  	[sflag:s14] =	ssyncset.done $0x0  }
0x138: {  	s21 =	rddreg [dreg:$0x18];
	[sflag:s14] =	ssyncadd.s32 $0xFFFFC000  }
0x139: {  	[tilespmem:s8], [sflag:$0x2] =	stream.indirect.gather [hbm4b:s3+s11], $0x80, s21, s11, $0xb8;
	[tilespmem:$0x15400] =	vst v63  }
0x13a: {  	_ =	swait.ge [sflag:s13], $0x4000  }
0x13b: {  	[sflag:s13] =	ssyncset.done $0x0  }
0x13c: {  	s21 =	rddreg [dreg:$0x19];
	[sflag:s13] =	ssyncadd.s32 $0xFFFFC000  }
0x13d: {  	[tilespmem:s7], [sflag:$0x3] =	stream.indirect.gather [hbm4b:s3+s11], $0x80, s21, s11, $0xb8;
	[tilespmem:$0x15400] =	vst v63  }
0x13e: {  	_ =	swait.ge [sflag:s12], $0x4000  }
0x13f: {  	[sflag:s12] =	ssyncset.done $0x0  }
0x140: {  	s21 =	rddreg [dreg:$0x1a];
	[sflag:s12] =	ssyncadd.s32 $0xFFFFC000  }
0x141: {  	[tilespmem:s6], [sflag:$0x4] =	stream.indirect.gather [hbm4b:s3+s11], $0x80, s21, s11, $0xb8;
	[tilespmem:$0x15400] =	vst v63  }
0x142: {  	_ =	swait.ge [sflag:s9], $0x4000  }
0x143: {  	[sflag:s9] =	ssyncset.done $0x0  }
0x144: {  	s21 =	rddreg [dreg:$0x1b];
	[sflag:s9] =	ssyncadd.s32 $0xFFFFC000  }
0x145: {  	[tilespmem:s5], [sflag:$0x5] =	stream.indirect.gather [hbm4b:s3+s11], $0x80, s21, s11, $0xb8;
	[tilespmem:$0x15400] =	vst v63  }
0x146: {  	_ =	swait.ge [sflag:s16], $0x4000  }
0x147: {  	[sflag:s16] =	ssyncset.done $0x0  }
0x148: {  	s21 =	rddreg [dreg:$0x1c];
	[sflag:s16] =	ssyncadd.s32 $0xFFFFC000  }
0x149: {  	[tilespmem:s10], [sflag:$0x1] =	stream.indirect.gather [hbm4b:s3+s11], $0x80, s21, s11, $0xb8;
	[tilespmem:$0x15400] =	vst v63  }
0x14a: {  	_ =	swait.ge [sflag:s14], $0x4000  }
0x14b: {  	[sflag:s14] =	ssyncset.done $0x0  }
0x14c: {  	s21 =	rddreg [dreg:$0x1d];
	[sflag:s14] =	ssyncadd.s32 $0xFFFFC000  }
0x14d: {  	[tilespmem:s8], [sflag:$0x2] =	stream.indirect.gather [hbm4b:s3+s11], $0x80, s21, s11, $0xb8;
	[tilespmem:$0x15400] =	vst v63  }
0x14e: {  	_ =	swait.ge [sflag:s13], $0x4000  }
0x14f: {  	[sflag:s13] =	ssyncset.done $0x0  }
0x150: {  	s21 =	rddreg [dreg:$0x1e];
	[sflag:s13] =	ssyncadd.s32 $0xFFFFC000  }
0x151: {  	[tilespmem:s7], [sflag:$0x3] =	stream.indirect.gather [hbm4b:s3+s11], $0x80, s21, s11, $0xb8;
	[tilespmem:$0x15400] =	vst v63  }
0x152: {  	_ =	swait.ge [sflag:s12], $0x4000  }
0x153: {  	[sflag:s12] =	ssyncset.done $0x0  }
0x154: {  	s21 =	rddreg [dreg:$0x1f];
	[sflag:s12] =	ssyncadd.s32 $0xFFFFC000  }
0x155: {  	[tilespmem:s6], [sflag:$0x4] =	stream.indirect.gather [hbm4b:s3+s11], $0x80, s21, s11, $0xb8;
	[tilespmem:$0x15400] =	vst v63  }
0x156: {  	_ =	swait.ge [sflag:s9], $0x4000  }
0x157: {  	s21 =	sld [smem:$0x7FC]  }
0x158: {  	[sflag:s9] =	ssyncset.done $0x0  }
0x159: {  	[sflag:s9] =	ssyncadd.s32 $0xFFFFC000  }
0x15a: {  	[tilespmem:s5], [sflag:$0x5] =	stream.indirect.gather [hbm4b:s3+s11], $0x80, s21, s11, $0xb8;
	[tilespmem:$0x15400] =	vst v63  }
0x15b: {  	_ =	swait.ge [sflag:s16], $0x4000  }
0x15c: {  	s21 =	sld [smem:$0x7FD]  }
0x15d: {  	[sflag:s16] =	ssyncset.done $0x0  }
0x15e: {  	[sflag:s16] =	ssyncadd.s32 $0xFFFFC000  }
0x15f: {  	[tilespmem:s10], [sflag:$0x1] =	stream.indirect.gather [hbm4b:s3+s11], $0x80, s21, s11, $0xb8;
	[tilespmem:$0x15400] =	vst v63  }
0x160: {  	_ =	swait.ge [sflag:s14], $0x4000  }
0x161: {  	[sflag:s14] =	ssyncset.done $0x0  }
0x162: {  	s21 =	simm.s32 $0xF80;
	[sflag:s14] =	ssyncadd.s32 $0xFFFFC000  }
0x163: {  	[tilespmem:s8], [sflag:$0x2] =	stream.indirect.gather [hbm4b:s3+s11], $0x80, s21, s11, $0xb8;
	[tilespmem:$0x15400] =	vst v63  }
0x164: {  	_ =	swait.ge [sflag:s13], $0x4000  }
0x165: {  	[sflag:s13] =	ssyncset.done $0x0  }
0x166: {  	[sflag:s13] =	ssyncadd.s32 $0xFFFFC000  }
0x167: {  	[tilespmem:s7], [sflag:$0x3] =	stream.indirect.gather [hbm4b:s3+s11], $0x80, s30, s11, $0xb8;
	[tilespmem:$0x15400] =	vst v63  }
0x168: {  	_ =	swait.ge [sflag:s12], $0x4000  }
0x169: {  	[sflag:s12] =	ssyncset.done $0x0  }
0x16a: {  	[sflag:s12] =	ssyncadd.s32 $0xFFFFC000  }
0x16b: {  	[tilespmem:s6], [sflag:$0x4] =	stream.indirect.gather [hbm4b:s3+s11], $0x80, s29, s11, $0xb8;
	[tilespmem:$0x15400] =	vst v63  }
0x16c: {  	_ =	swait.ge [sflag:s9], $0x4000  }
0x16d: {  	[sflag:s9] =	ssyncset.done $0x0  }
0x16e: {  	[sflag:s9] =	ssyncadd.s32 $0xFFFFC000  }
0x16f: {  	[tilespmem:s5], [sflag:$0x5] =	stream.indirect.gather [hbm4b:s3+s11], $0x80, s28, s11, $0xb8;
	[tilespmem:$0x15400] =	vst v63  }
0x170: {  	_ =	swait.ge [sflag:s16], $0x4000  }
0x171: {  	[sflag:s16] =	ssyncset.done $0x0  }
0x172: {  	[sflag:s16] =	ssyncadd.s32 $0xFFFFC000  }
0x173: {  	[tilespmem:s10], [sflag:$0x1] =	stream.indirect.gather [hbm4b:s3+s11], $0x80, s26, s11, $0xb8;
	[tilespmem:$0x15400] =	vst v63  }
0x174: {  	_ =	swait.ge [sflag:s14], $0x4000  }
0x175: {  	[sflag:s14] =	ssyncset.done $0x0  }
0x176: {  	[sflag:s14] =	ssyncadd.s32 $0xFFFFC000  }
0x177: {  	[tilespmem:s8], [sflag:$0x2] =	stream.indirect.gather [hbm4b:s3+s11], $0x80, s25, s11, $0xb8;
	[tilespmem:$0x15400] =	vst v63  }
0x178: {  	_ =	swait.ge [sflag:s13], $0x4000  }
0x179: {  	[sflag:s13] =	ssyncset.done $0x0  }
0x17a: {  	[sflag:s13] =	ssyncadd.s32 $0xFFFFC000  }
0x17b: {  	[tilespmem:s7], [sflag:$0x3] =	stream.indirect.gather [hbm4b:s3+s11], $0x80, s24, s11, $0xb8;
	[tilespmem:$0x15400] =	vst v63  }
0x17c: {  	_ =	swait.ge [sflag:s12], $0x4000  }
0x17d: {  	[sflag:s12] =	ssyncset.done $0x0  }
0x17e: {  	[sflag:s12] =	ssyncadd.s32 $0xFFFFC000  }
0x17f: {  	[tilespmem:s6], [sflag:$0x4] =	stream.indirect.gather [hbm4b:s3+s11], $0x80, s22, s11, $0xb8;
	[tilespmem:$0x15400] =	vst v63  }
0x180: {  	_ =	swait.ge [sflag:s9], $0x4000  }
0x181: {  	[sflag:s9] =	ssyncset.done $0x0  }
0x182: {  	[sflag:s9] =	ssyncadd.s32 $0xFFFFC000  }
0x183: {  	[tilespmem:s5], [sflag:$0x5] =	stream.indirect.gather [hbm4b:s3+s11], $0x80, s23, s11, $0xb8;
	[tilespmem:$0x15400] =	vst v63  }
0x184: {  	_ =	swait.ge [sflag:s16], $0x4000  }
0x185: {  	[sflag:s16] =	ssyncset.done $0x0  }
0x186: {  	[sflag:s16] =	ssyncadd.s32 $0xFFFFC000  }
0x187: {  	[hbm4b:s4+s2] =	stream.linear.scatter [tilespmem:s10], [sflag:$0x6], $0x4000, $0x38;
	[tilespmem:$0x15400] =	vst v63  }
0x188: {  	_ =	swait.ge [sflag:s20], $0x4000  }
0x189: {  	[sflag:s20] =	ssyncset.done $0x0  }
0x18a: {  	[sflag:s20] =	ssyncadd.s32 $0xFFFFC000  }
0x18b: {  	_ =	swait.ge [sflag:s14], $0x4000  }
0x18c: {  	[sflag:s14] =	ssyncset.done $0x0  }
0x18d: {  	[sflag:s14] =	ssyncadd.s32 $0xFFFFC000  }
0x18e: {  	[hbm4b:s4+s2] =	stream.linear.scatter [tilespmem:s8], [sflag:$0x7], $0x4000, $0x38;
	[tilespmem:$0x15400] =	vst v63  }
0x18f: {  	_ =	swait.ge [sflag:s19], $0x4000  }
0x190: {  	[sflag:s19] =	ssyncset.done $0x0  }
0x191: {  	[sflag:s19] =	ssyncadd.s32 $0xFFFFC000  }
0x192: {  	_ =	swait.ge [sflag:s13], $0x4000  }
0x193: {  	[sflag:s13] =	ssyncset.done $0x0  }
0x194: {  	[sflag:s13] =	ssyncadd.s32 $0xFFFFC000  }
0x195: {  	[hbm4b:s4+s2] =	stream.linear.scatter [tilespmem:s7], [sflag:$0x8], $0x4000, $0x38;
	[tilespmem:$0x15400] =	vst v63  }
0x196: {  	_ =	swait.ge [sflag:s18], $0x4000  }
0x197: {  	[sflag:s18] =	ssyncset.done $0x0  }
0x198: {  	[sflag:s18] =	ssyncadd.s32 $0xFFFFC000  }
0x199: {  	_ =	swait.ge [sflag:s12], $0x4000  }
0x19a: {  	[sflag:s12] =	ssyncset.done $0x0  }
0x19b: {  	[sflag:s12] =	ssyncadd.s32 $0xFFFFC000  }
0x19c: {  	[hbm4b:s4+s2] =	stream.linear.scatter [tilespmem:s6], [sflag:$0x9], $0x4000, $0x38;
	[tilespmem:$0x15400] =	vst v63  }
0x19d: {  	_ =	swait.ge [sflag:s17], $0x4000  }
0x19e: {  	[sflag:s17] =	ssyncset.done $0x0  }
0x19f: {  	[sflag:s17] =	ssyncadd.s32 $0xFFFFC000  }
0x1a0: {  	p1 =	sne.s32 s1, $0x1;
	_ =	swait.ge [sflag:s9], $0x4000  }
.Ltmp2:
0x1a1: {  	[sflag:s9] =	ssyncset.done $0x0;
	(pc) =	sbr.rel @p1 .LBB2_4-.Ltmp2, $4  }
0x1a2: {  	[sflag:s9] =	ssyncadd.s32 $0xFFFFC000  }
0x1a3: {  	[hbm4b:s4+s2] =	stream.linear.scatter [tilespmem:s5], [sflag:$0xA], $0x4000, $0x38;
	[tilespmem:$0x15400] =	vst v63  }
0x1a4: {  	_ =	swait.ge [sflag:s15], $0x4000  }
0x1a5: {  	s1 =	sadd.s32 $0xFFFFFFFF, s1;
	s0 =	rddreg [dreg:$0x4];
	[sflag:s15] =	ssyncset.done $0x0  }
0x1a6: {  	s23 =	simm.s32 $0xF80;
	s30 =	simm.s32 $0x1000;
	s29 =	simm.s32 $0x1080  }
0x1a7: {  	s28 =	simm.s32 $0x1100;
	s26 =	simm.s32 $0x1180;
	s25 =	simm.s32 $0x1200  }
0x1a8: {  	s24 =	simm.s32 $0x1280;
	s22 =	simm.s32 $0x1300;
	s21 =	stileid.u32  }
.LBB2_6:
0x1a9: {  	[sflag:s15] =	ssyncadd.s32 @p0 $0xFFFFC000  }
0x1aa: {  	[tilespmem:s2], [sflag:$0xB] =	stream.linear.gather [hbm4b:s0+s2], $0x1400, $0x38;
	[tilespmem:$0x15400] =	vst v63  }
0x1ab: {  	_ =	swait.ge [sflag:s31], $0x1400  }
0x1ac: {  	[sflag:s31] =	ssyncset.done $0x0  }
0x1ad: {  	[sflag:s31] =	ssyncadd.s32 $0xFFFFEC00  }
0x1ae: {  	[tilespmem:s10], [sflag:$0x1] =	stream.indirect.gather [hbm4b:s3+s11], $0x80, s2, s11, $0xb8;
	[tilespmem:$0x15400] =	vst v63  }
0x1af: {  	_ = 	snop  }
0x1b0: {  	[tilespmem:s8], [sflag:$0x2] =	stream.indirect.gather [hbm4b:s3+s11], $0x80, s11, s11, $0xb8;
	[tilespmem:$0x15400] =	vst v63  }
0x1b1: {  	s31 =	rddreg [dreg:$0x5]  }
0x1b2: {  	[tilespmem:s7], [sflag:$0x3] =	stream.indirect.gather [hbm4b:s3+s11], $0x80, s31, s11, $0xb8;
	[tilespmem:$0x15400] =	vst v63  }
0x1b3: {  	s1 =	rddreg [dreg:$0x6]  }
0x1b4: {  	[tilespmem:s6], [sflag:$0x4] =	stream.indirect.gather [hbm4b:s3+s11], $0x80, s1, s11, $0xb8;
	[tilespmem:$0x15400] =	vst v63  }
0x1b5: {  	s31 =	rddreg [dreg:$0x7]  }
0x1b6: {  	[tilespmem:s5], [sflag:$0x5] =	stream.indirect.gather [hbm4b:s3+s11], $0x80, s31, s11, $0xb8;
	[tilespmem:$0x15400] =	vst v63  }
0x1b7: {  	_ =	swait.ge [sflag:s16], $0x4000  }
0x1b8: {  	[sflag:s16] =	ssyncset.done $0x0  }
0x1b9: {  	s31 =	rddreg [dreg:$0x8];
	[sflag:s16] =	ssyncadd.s32 $0xFFFFC000  }
0x1ba: {  	[tilespmem:s10], [sflag:$0x1] =	stream.indirect.gather [hbm4b:s3+s11], $0x80, s31, s11, $0xb8;
	[tilespmem:$0x15400] =	vst v63  }
0x1bb: {  	_ =	swait.ge [sflag:s14], $0x4000  }
0x1bc: {  	[sflag:s14] =	ssyncset.done $0x0  }
0x1bd: {  	s1 =	rddreg [dreg:$0x9];
	[sflag:s14] =	ssyncadd.s32 $0xFFFFC000  }
0x1be: {  	[tilespmem:s8], [sflag:$0x2] =	stream.indirect.gather [hbm4b:s3+s11], $0x80, s1, s11, $0xb8;
	[tilespmem:$0x15400] =	vst v63  }
0x1bf: {  	_ =	swait.ge [sflag:s13], $0x4000  }
0x1c0: {  	[sflag:s13] =	ssyncset.done $0x0  }
0x1c1: {  	s31 =	rddreg [dreg:$0xa];
	[sflag:s13] =	ssyncadd.s32 $0xFFFFC000  }
0x1c2: {  	[tilespmem:s7], [sflag:$0x3] =	stream.indirect.gather [hbm4b:s3+s11], $0x80, s31, s11, $0xb8;
	[tilespmem:$0x15400] =	vst v63  }
0x1c3: {  	_ =	swait.ge [sflag:s12], $0x4000  }
0x1c4: {  	[sflag:s12] =	ssyncset.done $0x0  }
0x1c5: {  	s1 =	rddreg [dreg:$0xb];
	[sflag:s12] =	ssyncadd.s32 $0xFFFFC000  }
0x1c6: {  	[tilespmem:s6], [sflag:$0x4] =	stream.indirect.gather [hbm4b:s3+s11], $0x80, s1, s11, $0xb8;
	[tilespmem:$0x15400] =	vst v63  }
0x1c7: {  	_ =	swait.ge [sflag:s9], $0x4000  }
0x1c8: {  	[sflag:s9] =	ssyncset.done $0x0  }
0x1c9: {  	s31 =	rddreg [dreg:$0xc];
	[sflag:s9] =	ssyncadd.s32 $0xFFFFC000  }
0x1ca: {  	[tilespmem:s5], [sflag:$0x5] =	stream.indirect.gather [hbm4b:s3+s11], $0x80, s31, s11, $0xb8;
	[tilespmem:$0x15400] =	vst v63  }
0x1cb: {  	_ =	swait.ge [sflag:s16], $0x4000  }
0x1cc: {  	[sflag:s16] =	ssyncset.done $0x0  }
0x1cd: {  	s1 =	rddreg [dreg:$0xd];
	[sflag:s16] =	ssyncadd.s32 $0xFFFFC000  }
0x1ce: {  	[tilespmem:s10], [sflag:$0x1] =	stream.indirect.gather [hbm4b:s3+s11], $0x80, s1, s11, $0xb8;
	[tilespmem:$0x15400] =	vst v63  }
0x1cf: {  	_ =	swait.ge [sflag:s14], $0x4000  }
0x1d0: {  	[sflag:s14] =	ssyncset.done $0x0  }
0x1d1: {  	s31 =	rddreg [dreg:$0xe];
	[sflag:s14] =	ssyncadd.s32 $0xFFFFC000  }
0x1d2: {  	[tilespmem:s8], [sflag:$0x2] =	stream.indirect.gather [hbm4b:s3+s11], $0x80, s31, s11, $0xb8;
	[tilespmem:$0x15400] =	vst v63  }
0x1d3: {  	_ =	swait.ge [sflag:s13], $0x4000  }
0x1d4: {  	[sflag:s13] =	ssyncset.done $0x0  }
0x1d5: {  	s1 =	rddreg [dreg:$0xf];
	[sflag:s13] =	ssyncadd.s32 $0xFFFFC000  }
0x1d6: {  	[tilespmem:s7], [sflag:$0x3] =	stream.indirect.gather [hbm4b:s3+s11], $0x80, s1, s11, $0xb8;
	[tilespmem:$0x15400] =	vst v63  }
0x1d7: {  	_ =	swait.ge [sflag:s12], $0x4000  }
0x1d8: {  	[sflag:s12] =	ssyncset.done $0x0  }
0x1d9: {  	s31 =	rddreg [dreg:$0x10];
	[sflag:s12] =	ssyncadd.s32 $0xFFFFC000  }
0x1da: {  	[tilespmem:s6], [sflag:$0x4] =	stream.indirect.gather [hbm4b:s3+s11], $0x80, s31, s11, $0xb8;
	[tilespmem:$0x15400] =	vst v63  }
0x1db: {  	_ =	swait.ge [sflag:s9], $0x4000  }
0x1dc: {  	[sflag:s9] =	ssyncset.done $0x0  }
0x1dd: {  	s1 =	rddreg [dreg:$0x11];
	[sflag:s9] =	ssyncadd.s32 $0xFFFFC000  }
0x1de: {  	[tilespmem:s5], [sflag:$0x5] =	stream.indirect.gather [hbm4b:s3+s11], $0x80, s1, s11, $0xb8;
	[tilespmem:$0x15400] =	vst v63  }
0x1df: {  	_ =	swait.ge [sflag:s16], $0x4000  }
0x1e0: {  	[sflag:s16] =	ssyncset.done $0x0  }
0x1e1: {  	s31 =	rddreg [dreg:$0x12];
	[sflag:s16] =	ssyncadd.s32 $0xFFFFC000  }
0x1e2: {  	[tilespmem:s10], [sflag:$0x1] =	stream.indirect.gather [hbm4b:s3+s11], $0x80, s31, s11, $0xb8;
	[tilespmem:$0x15400] =	vst v63  }
0x1e3: {  	_ =	swait.ge [sflag:s14], $0x4000  }
0x1e4: {  	[sflag:s14] =	ssyncset.done $0x0  }
0x1e5: {  	s1 =	rddreg [dreg:$0x13];
	[sflag:s14] =	ssyncadd.s32 $0xFFFFC000  }
0x1e6: {  	[tilespmem:s8], [sflag:$0x2] =	stream.indirect.gather [hbm4b:s3+s11], $0x80, s1, s11, $0xb8;
	[tilespmem:$0x15400] =	vst v63  }
0x1e7: {  	_ =	swait.ge [sflag:s13], $0x4000  }
0x1e8: {  	[sflag:s13] =	ssyncset.done $0x0  }
0x1e9: {  	s31 =	rddreg [dreg:$0x14];
	[sflag:s13] =	ssyncadd.s32 $0xFFFFC000  }
0x1ea: {  	[tilespmem:s7], [sflag:$0x3] =	stream.indirect.gather [hbm4b:s3+s11], $0x80, s31, s11, $0xb8;
	[tilespmem:$0x15400] =	vst v63  }
0x1eb: {  	_ =	swait.ge [sflag:s12], $0x4000  }
0x1ec: {  	[sflag:s12] =	ssyncset.done $0x0  }
0x1ed: {  	s1 =	rddreg [dreg:$0x15];
	[sflag:s12] =	ssyncadd.s32 $0xFFFFC000  }
0x1ee: {  	[tilespmem:s6], [sflag:$0x4] =	stream.indirect.gather [hbm4b:s3+s11], $0x80, s1, s11, $0xb8;
	[tilespmem:$0x15400] =	vst v63  }
0x1ef: {  	_ =	swait.ge [sflag:s9], $0x4000  }
0x1f0: {  	[sflag:s9] =	ssyncset.done $0x0  }
0x1f1: {  	s31 =	rddreg [dreg:$0x16];
	[sflag:s9] =	ssyncadd.s32 $0xFFFFC000  }
0x1f2: {  	[tilespmem:s5], [sflag:$0x5] =	stream.indirect.gather [hbm4b:s3+s11], $0x80, s31, s11, $0xb8;
	[tilespmem:$0x15400] =	vst v63  }
0x1f3: {  	_ =	swait.ge [sflag:s16], $0x4000  }
0x1f4: {  	[sflag:s16] =	ssyncset.done $0x0  }
0x1f5: {  	s1 =	rddreg [dreg:$0x17];
	[sflag:s16] =	ssyncadd.s32 $0xFFFFC000  }
0x1f6: {  	[tilespmem:s10], [sflag:$0x1] =	stream.indirect.gather [hbm4b:s3+s11], $0x80, s1, s11, $0xb8;
	[tilespmem:$0x15400] =	vst v63  }
0x1f7: {  	_ =	swait.ge [sflag:s14], $0x4000  }
0x1f8: {  	[sflag:s14] =	ssyncset.done $0x0  }
0x1f9: {  	s31 =	rddreg [dreg:$0x18];
	[sflag:s14] =	ssyncadd.s32 $0xFFFFC000  }
0x1fa: {  	[tilespmem:s8], [sflag:$0x2] =	stream.indirect.gather [hbm4b:s3+s11], $0x80, s31, s11, $0xb8;
	[tilespmem:$0x15400] =	vst v63  }
0x1fb: {  	_ =	swait.ge [sflag:s13], $0x4000  }
0x1fc: {  	[sflag:s13] =	ssyncset.done $0x0  }
0x1fd: {  	s1 =	rddreg [dreg:$0x19];
	[sflag:s13] =	ssyncadd.s32 $0xFFFFC000  }
0x1fe: {  	[tilespmem:s7], [sflag:$0x3] =	stream.indirect.gather [hbm4b:s3+s11], $0x80, s1, s11, $0xb8;
	[tilespmem:$0x15400] =	vst v63  }
0x1ff: {  	_ =	swait.ge [sflag:s12], $0x4000  }
0x200: {  	[sflag:s12] =	ssyncset.done $0x0  }
0x201: {  	s31 =	rddreg [dreg:$0x1a];
	[sflag:s12] =	ssyncadd.s32 $0xFFFFC000  }
0x202: {  	[tilespmem:s6], [sflag:$0x4] =	stream.indirect.gather [hbm4b:s3+s11], $0x80, s31, s11, $0xb8;
	[tilespmem:$0x15400] =	vst v63  }
0x203: {  	_ =	swait.ge [sflag:s9], $0x4000  }
0x204: {  	[sflag:s9] =	ssyncset.done $0x0  }
0x205: {  	s1 =	rddreg [dreg:$0x1b];
	[sflag:s9] =	ssyncadd.s32 $0xFFFFC000  }
0x206: {  	[tilespmem:s5], [sflag:$0x5] =	stream.indirect.gather [hbm4b:s3+s11], $0x80, s1, s11, $0xb8;
	[tilespmem:$0x15400] =	vst v63  }
0x207: {  	_ =	swait.ge [sflag:s16], $0x4000  }
0x208: {  	[sflag:s16] =	ssyncset.done $0x0  }
0x209: {  	s31 =	rddreg [dreg:$0x1c];
	[sflag:s16] =	ssyncadd.s32 $0xFFFFC000  }
0x20a: {  	[tilespmem:s10], [sflag:$0x1] =	stream.indirect.gather [hbm4b:s3+s11], $0x80, s31, s11, $0xb8;
	[tilespmem:$0x15400] =	vst v63  }
0x20b: {  	_ =	swait.ge [sflag:s14], $0x4000  }
0x20c: {  	[sflag:s14] =	ssyncset.done $0x0  }
0x20d: {  	s1 =	rddreg [dreg:$0x1d];
	[sflag:s14] =	ssyncadd.s32 $0xFFFFC000  }
0x20e: {  	[tilespmem:s8], [sflag:$0x2] =	stream.indirect.gather [hbm4b:s3+s11], $0x80, s1, s11, $0xb8;
	[tilespmem:$0x15400] =	vst v63  }
0x20f: {  	_ =	swait.ge [sflag:s13], $0x4000  }
0x210: {  	[sflag:s13] =	ssyncset.done $0x0  }
0x211: {  	s31 =	rddreg [dreg:$0x1e];
	[sflag:s13] =	ssyncadd.s32 $0xFFFFC000  }
0x212: {  	[tilespmem:s7], [sflag:$0x3] =	stream.indirect.gather [hbm4b:s3+s11], $0x80, s31, s11, $0xb8;
	[tilespmem:$0x15400] =	vst v63  }
0x213: {  	_ =	swait.ge [sflag:s12], $0x4000  }
0x214: {  	[sflag:s12] =	ssyncset.done $0x0  }
0x215: {  	s1 =	rddreg [dreg:$0x1f];
	[sflag:s12] =	ssyncadd.s32 $0xFFFFC000  }
0x216: {  	[tilespmem:s6], [sflag:$0x4] =	stream.indirect.gather [hbm4b:s3+s11], $0x80, s1, s11, $0xb8;
	[tilespmem:$0x15400] =	vst v63  }
0x217: {  	_ =	swait.ge [sflag:s9], $0x4000  }
0x218: {  	s31 =	sld [smem:$0x7FC]  }
0x219: {  	[sflag:s9] =	ssyncset.done $0x0  }
0x21a: {  	[sflag:s9] =	ssyncadd.s32 $0xFFFFC000  }
0x21b: {  	[tilespmem:s5], [sflag:$0x5] =	stream.indirect.gather [hbm4b:s3+s11], $0x80, s31, s11, $0xb8;
	[tilespmem:$0x15400] =	vst v63  }
0x21c: {  	_ =	swait.ge [sflag:s16], $0x4000  }
0x21d: {  	s1 =	sld [smem:$0x7FD]  }
0x21e: {  	[sflag:s16] =	ssyncset.done $0x0  }
0x21f: {  	[sflag:s16] =	ssyncadd.s32 $0xFFFFC000  }
0x220: {  	[tilespmem:s10], [sflag:$0x1] =	stream.indirect.gather [hbm4b:s3+s11], $0x80, s1, s11, $0xb8;
	[tilespmem:$0x15400] =	vst v63  }
0x221: {  	_ =	swait.ge [sflag:s14], $0x4000  }
0x222: {  	[sflag:s14] =	ssyncset.done $0x0  }
0x223: {  	[sflag:s14] =	ssyncadd.s32 $0xFFFFC000  }
0x224: {  	[tilespmem:s8], [sflag:$0x2] =	stream.indirect.gather [hbm4b:s3+s11], $0x80, s23, s11, $0xb8;
	[tilespmem:$0x15400] =	vst v63  }
0x225: {  	_ =	swait.ge [sflag:s13], $0x4000  }
0x226: {  	[sflag:s13] =	ssyncset.done $0x0  }
0x227: {  	[sflag:s13] =	ssyncadd.s32 $0xFFFFC000  }
0x228: {  	[tilespmem:s7], [sflag:$0x3] =	stream.indirect.gather [hbm4b:s3+s11], $0x80, s30, s11, $0xb8;
	[tilespmem:$0x15400] =	vst v63  }
0x229: {  	_ =	swait.ge [sflag:s12], $0x4000  }
0x22a: {  	[sflag:s12] =	ssyncset.done $0x0  }
0x22b: {  	[sflag:s12] =	ssyncadd.s32 $0xFFFFC000  }
0x22c: {  	[tilespmem:s6], [sflag:$0x4] =	stream.indirect.gather [hbm4b:s3+s11], $0x80, s29, s11, $0xb8;
	[tilespmem:$0x15400] =	vst v63  }
0x22d: {  	_ =	swait.ge [sflag:s9], $0x4000  }
0x22e: {  	[sflag:s9] =	ssyncset.done $0x0  }
0x22f: {  	[sflag:s9] =	ssyncadd.s32 $0xFFFFC000  }
0x230: {  	[tilespmem:s5], [sflag:$0x5] =	stream.indirect.gather [hbm4b:s3+s11], $0x80, s28, s11, $0xb8;
	[tilespmem:$0x15400] =	vst v63  }
0x231: {  	_ =	swait.ge [sflag:s16], $0x4000  }
0x232: {  	[sflag:s16] =	ssyncset.done $0x0  }
0x233: {  	[sflag:s16] =	ssyncadd.s32 $0xFFFFC000  }
0x234: {  	[tilespmem:s10], [sflag:$0x1] =	stream.indirect.gather [hbm4b:s3+s11], $0x80, s26, s11, $0xb8;
	[tilespmem:$0x15400] =	vst v63  }
0x235: {  	_ =	swait.ge [sflag:s14], $0x4000  }
0x236: {  	[sflag:s14] =	ssyncset.done $0x0  }
0x237: {  	[sflag:s14] =	ssyncadd.s32 $0xFFFFC000  }
0x238: {  	[tilespmem:s8], [sflag:$0x2] =	stream.indirect.gather [hbm4b:s3+s11], $0x80, s25, s11, $0xb8;
	[tilespmem:$0x15400] =	vst v63  }
0x239: {  	_ =	swait.ge [sflag:s13], $0x4000  }
0x23a: {  	[sflag:s13] =	ssyncset.done $0x0  }
0x23b: {  	[sflag:s13] =	ssyncadd.s32 $0xFFFFC000  }
0x23c: {  	[tilespmem:s7], [sflag:$0x3] =	stream.indirect.gather [hbm4b:s3+s11], $0x80, s24, s11, $0xb8;
	[tilespmem:$0x15400] =	vst v63  }
0x23d: {  	_ =	swait.ge [sflag:s12], $0x4000  }
0x23e: {  	[sflag:s12] =	ssyncset.done $0x0  }
0x23f: {  	[sflag:s12] =	ssyncadd.s32 $0xFFFFC000  }
0x240: {  	[tilespmem:s6], [sflag:$0x4] =	stream.indirect.gather [hbm4b:s3+s11], $0x80, s22, s11, $0xb8;
	[tilespmem:$0x15400] =	vst v63  }
0x241: {  	_ =	swait.ge [sflag:s9], $0x4000  }
0x242: {  	[sflag:s9] =	ssyncset.done $0x0  }
0x243: {  	s31 =	simm.s32 $0x1380;
	[sflag:s9] =	ssyncadd.s32 $0xFFFFC000  }
0x244: {  	[tilespmem:s5], [sflag:$0x5] =	stream.indirect.gather [hbm4b:s3+s11], $0x80, s31, s11, $0xb8;
	[tilespmem:$0x15400] =	vst v63  }
0x245: {  	_ =	swait.ge [sflag:s16], $0x4000  }
0x246: {  	[sflag:s16] =	ssyncset.done $0x0  }
0x247: {  	[sflag:s16] =	ssyncadd.s32 $0xFFFFC000  }
0x248: {  	[hbm4b:s4+s2] =	stream.linear.scatter [tilespmem:s10], [sflag:$0x6], $0x4000, $0x38;
	[tilespmem:$0x15400] =	vst v63  }
0x249: {  	_ =	swait.ge [sflag:s20], $0x4000  }
0x24a: {  	[sflag:s20] =	ssyncset.done $0x0  }
0x24b: {  	[sflag:s20] =	ssyncadd.s32 $0xFFFFC000  }
0x24c: {  	_ =	swait.ge [sflag:s14], $0x4000  }
0x24d: {  	[sflag:s14] =	ssyncset.done $0x0  }
0x24e: {  	[sflag:s14] =	ssyncadd.s32 $0xFFFFC000  }
0x24f: {  	[hbm4b:s4+s2] =	stream.linear.scatter [tilespmem:s8], [sflag:$0x7], $0x4000, $0x38;
	[tilespmem:$0x15400] =	vst v63  }
0x250: {  	_ =	swait.ge [sflag:s19], $0x4000  }
0x251: {  	[sflag:s19] =	ssyncset.done $0x0  }
0x252: {  	[sflag:s19] =	ssyncadd.s32 $0xFFFFC000  }
0x253: {  	_ =	swait.ge [sflag:s13], $0x4000  }
0x254: {  	[sflag:s13] =	ssyncset.done $0x0  }
0x255: {  	[sflag:s13] =	ssyncadd.s32 $0xFFFFC000  }
0x256: {  	[hbm4b:s4+s2] =	stream.linear.scatter [tilespmem:s7], [sflag:$0x8], $0x4000, $0x38;
	[tilespmem:$0x15400] =	vst v63  }
0x257: {  	_ =	swait.ge [sflag:s18], $0x4000  }
0x258: {  	[sflag:s18] =	ssyncset.done $0x0  }
0x259: {  	[sflag:s18] =	ssyncadd.s32 $0xFFFFC000  }
0x25a: {  	_ =	swait.ge [sflag:s12], $0x4000  }
0x25b: {  	[sflag:s12] =	ssyncset.done $0x0  }
0x25c: {  	[sflag:s12] =	ssyncadd.s32 $0xFFFFC000  }
0x25d: {  	[hbm4b:s4+s2] =	stream.linear.scatter [tilespmem:s6], [sflag:$0x9], $0x4000, $0x38;
	[tilespmem:$0x15400] =	vst v63  }
0x25e: {  	_ =	swait.ge [sflag:s17], $0x4000  }
0x25f: {  	[sflag:s17] =	ssyncset.done $0x0  }
0x260: {  	[sflag:s17] =	ssyncadd.s32 $0xFFFFC000  }
0x261: {  	_ =	swait.ge [sflag:s9], $0x4000  }
0x262: {  	[sflag:s9] =	ssyncset.done $0x0  }
0x263: {  	[sflag:s9] =	ssyncadd.s32 $0xFFFFC000  }
0x264: {  	[hbm4b:s4+s2] =	stream.linear.scatter [tilespmem:s5], [sflag:$0xA], $0x4000, $0x38;
	[tilespmem:$0x15400] =	vst v63  }
0x265: {  	_ =	swait.ge [sflag:s15], $0x4000  }
0x266: {  	[sflag:s15] =	ssyncset.done $0x0  }
0x267: {  	[sflag:s15] =	ssyncadd.s32 $0xFFFFC000  }
0x268: {  	_ =	sfence.sel $0x180000  }
0x269: {  	[bflag:$0x0] =	sbarrier.arrive $0xFFFF  }
0x26a: {  	_ =	strace $0x90000047  }
0x26b: {  	[bflag:$0x2] =	sbarrier.arrive $0xFFFF  }
0x26c: {  	p0 =	sne.s32 s21, $0x0;
	s0 =	rddreg [dreg:$0x3]  }
0x26d: {  	s0 =	sadd.s32 @!p0 $0x100000, s0  }
0x26e: {  	[sflag:s0] =	ssyncadd.tile.s32 @!p0 $0x1;
	_ =	shalt  }
.LBB2_1:
.Ltmp3:
0x26f: {  	(pc) =	sbr.rel .LBB2_6-.Ltmp3, $4  }
0x270: {  	_ = 	snop  }
0x271: {  	s23 =	simm.s32 $0xF80;
	s30 =	simm.s32 $0x1000  }
0x272: {  	s29 =	simm.s32 $0x1080;
	s28 =	simm.s32 $0x1100;
	s26 =	simm.s32 $0x1180  }
0x273: {  	s25 =	simm.s32 $0x1200;
	s24 =	simm.s32 $0x1280;
	s22 =	simm.s32 $0x1300  }
.LBB2_3:
.Ltmp4:
0x274: {  	(pc) =	sbr.rel .LBB2_6-.Ltmp4, $4  }
0x275: {  	_ = 	snop  }
0x276: {  	s23 =	simm.s32 $0xF80;
	s30 =	simm.s32 $0x1000;
	s29 =	simm.s32 $0x1080  }
0x277: {  	s28 =	simm.s32 $0x1100;
	s26 =	simm.s32 $0x1180;
	s25 =	simm.s32 $0x1200  }
0x278: {  	s24 =	simm.s32 $0x1280;
	s22 =	simm.s32 $0x1300;
	s21 =	stileid.u32  }
.Lfunc_end2:
_tile_overlayer_lowered:
.L_overlay_start_2:
0x279: {  	(tag) =	ssettag $0x2  }
0x27a: {  	s0 =	rddreg [dreg:$0x0];
	s2 =	stileid.u32  }
0x27b: {  	s1 =	rddreg [dreg:$0x1];
	p0 =	sne.s32 s2, $0x0  }
0x27c: {  	s3 =	rddreg [dreg:$0x2];
	[bflag:$0x3] =	sbarrier.arrive $0xFFFF;
	s2 =	simm.s32 @!p0 $0x1C0B  }
0x27d: {  	[timem:s3], [sflag:s2] =	dma.local @!p0 [hbm:s0], s1  }
0x27e: {  	s0 =	simm.s32 @!p0 $0xB  }
0x27f: {  	_ =	swait.ge @!p0 [sflag:s0], s1  }
0x280: {  	s1 =	ssub.s32 @!p0 $0x0, s1;
	[sflag:s0] =	ssyncset.done @!p0 $0x0  }
0x281: {  	[sflag:s0] =	ssyncadd.s32 @!p0 s1  }
0x282: {  	[bflag:$0x3] =	sbarrier.arrive $0xFFFF  }
0x283: {  	_ =	shalt  }

</sc_bundles>
